<compile_context>
chip_gen: v7x
topology: tpu7x:2x2x1
jax: 0.10.2.dev20260603
libtpu: 0.0.44.dev20260713+nightly
codegen_flags: <defaults>
</compile_context>

<pallas_src>
import functools

import jax
import jax.numpy as jnp
from jax import lax
from jax.experimental import pallas as pl
from jax.experimental.pallas import tpu as pltpu
from jax.experimental.pallas import tpu_sc as plsc

BATCH = 16384
EMB = 64

try:
    _INFO = plsc.get_sparse_core_info()
    _NC, _NS = _INFO.num_cores, _INFO.num_subcores
except ValueError:
    _NC, _NS = 2, 16
_NW = _NC * _NS
_BPW = BATCH // _NW
_CHN = 128

_PBLK = 8192


def _pack_body(g_t, m_t, out):
    eye = jnp.eye(EMB, dtype=jnp.float32)
    dn = (((0,), (0,)), ((), ()))
    out[:, :EMB] = lax.dot_general(g_t[...], eye, dn,
                                   preferred_element_type=jnp.float32)
    out[:, EMB:] = lax.dot_general(m_t[...], eye, dn,
                                   preferred_element_type=jnp.float32)


def _tc_pack(gmf_table, mlp_table):
    n = gmf_table.shape[0]
    return pl.pallas_call(
        _pack_body,
        grid=(pl.cdiv(n, _PBLK),),
        in_specs=[pl.BlockSpec((EMB, _PBLK), lambda i: (0, i)),
                  pl.BlockSpec((EMB, _PBLK), lambda i: (0, i))],
        out_specs=pl.BlockSpec((_PBLK, 2 * EMB), lambda i: (i, 0)),
        out_shape=jax.ShapeDtypeStruct((n, 2 * EMB), jnp.float32),
    )(gmf_table.T, mlp_table.T)


def _sc_gather(ids, cat):
    mesh = plsc.VectorSubcoreMesh(core_axis_name="c", subcore_axis_name="s")

    @functools.partial(
        pl.kernel,
        out_type=jax.ShapeDtypeStruct((BATCH, 2 * EMB), jnp.float32),
        mesh=mesh,
        scratch_types=[
            pltpu.VMEM((_BPW,), jnp.int32),
            pltpu.VMEM((_CHN, 2 * EMB), jnp.float32),
            pltpu.VMEM((_CHN, 2 * EMB), jnp.float32),
            pltpu.SemaphoreType.DMA,
            pltpu.SemaphoreType.DMA,
        ],
    )
    def k(ids_ref, cat_ref, out, idx, buf0, buf1, sem0, sem1):
        wid = lax.axis_index("s") * _NC + lax.axis_index("c")
        base = wid * _BPW
        pltpu.sync_copy(ids_ref.at[pl.ds(base, _BPW)], idx)
        bufs = (buf0, buf1)
        sems = (sem0, sem1)
        nch = _BPW // _CHN
        pltpu.async_copy(cat_ref.at[idx.at[pl.ds(0, _CHN)]], buf0, sem0)
        for h in range(nch):
            if h + 1 < nch:
                pltpu.async_copy(
                    cat_ref.at[idx.at[pl.ds((h + 1) * _CHN, _CHN)]],
                    bufs[(h + 1) % 2], sems[(h + 1) % 2])
            b = bufs[h % 2]
            pltpu.make_async_copy(cat_ref.at[pl.ds(0, _CHN)], b,
                                  sems[h % 2]).wait()
            pltpu.sync_copy(b, out.at[pl.ds(base + h * _CHN, _CHN)])

    return k(ids, cat)


_BLK = 4096


def _mlp_body(ur, ir, w1u, w1i, b1, w2, b2, w3, b3, wog, wom, bo, out):
    um = ur[:, EMB:]
    im = ir[:, EMB:]
    h = jnp.dot(um, w1u[...], preferred_element_type=jnp.float32)
    h = h + jnp.dot(im, w1i[...], preferred_element_type=jnp.float32)
    h = jax.nn.relu(h + b1[...])
    h = jax.nn.relu(jnp.dot(h, w2[...], preferred_element_type=jnp.float32) + b2[...])
    h = jax.nn.relu(jnp.dot(h, w3[...], preferred_element_type=jnp.float32) + b3[...])
    gmf = ur[:, :EMB] * ir[:, :EMB]
    o = jnp.dot(gmf, wog[...], preferred_element_type=jnp.float32)
    o = o + jnp.dot(h, wom[...], preferred_element_type=jnp.float32)
    out[...] = o + bo[...]


def _tc_mlp(ur, ir, W1, b1, W2, b2, W3, b3, Wo, bo):
    def whole(shape):
        return pl.BlockSpec(shape, lambda i: (0,) * len(shape))

    bspec = pl.BlockSpec((_BLK, 2 * EMB), lambda i: (i, 0))
    return pl.pallas_call(
        _mlp_body,
        grid=(BATCH // _BLK,),
        in_specs=[bspec, bspec,
                  whole((EMB, 128)), whole((EMB, 128)), whole((1, 128)),
                  whole((128, 64)), whole((1, 64)),
                  whole((64, 32)), whole((1, 32)),
                  whole((EMB, 1)), whole((32, 1)), whole((1, 1))],
        out_specs=pl.BlockSpec((_BLK, 1), lambda i: (i, 0)),
        out_shape=jax.ShapeDtypeStruct((BATCH, 1), jnp.float32),
    )(ur, ir, W1[:EMB], W1[EMB:], b1.reshape(1, -1),
      W2, b2.reshape(1, -1), W3, b3.reshape(1, -1),
      Wo[:EMB], Wo[EMB:], bo.reshape(1, -1))


def kernel(user_ids, item_ids, ue_gmf, ie_gmf, ue_mlp, ie_mlp,
           W1, b1, W2, b2, W3, b3, Wo, bo):
    user_ids = user_ids.astype(jnp.int32)
    item_ids = item_ids.astype(jnp.int32)
    u_cat = _tc_pack(ue_gmf, ue_mlp)
    ur = _sc_gather(user_ids, u_cat)
    i_cat = _tc_pack(ie_gmf, ie_mlp)
    ir = _sc_gather(item_ids, i_cat)
    return _tc_mlp(ur, ir, W1, b1, W2, b2, W3, b3, Wo, bo)

# --- scband reference (transcript-rebuilt; emitter-appended) ---
"""Pipeline reference for scband-ncfmodel-26345329394044 (READ-ONLY COPY).

The authoritative reference and input builder live on the scoring server;
editing this copy changes nothing except your own understanding.
"""

import jax, jax.numpy as jnp
import numpy as np

NUM_USERS = 100000
NUM_ITEMS = 100000
EMB = 64
BATCH = 16384

def setup_inputs(seed: int = 0) -> dict:
    key = jax.random.key(seed)
    ks = jax.random.split(key, 16)
    user_ids = jax.random.randint(ks[0], (BATCH,), 0, NUM_USERS)
    item_ids = jax.random.randint(ks[1], (BATCH,), 0, NUM_ITEMS)
    ue_gmf = jax.random.normal(ks[2], (NUM_USERS, EMB), dtype=jnp.float32) * 0.05
    ie_gmf = jax.random.normal(ks[3], (NUM_ITEMS, EMB), dtype=jnp.float32) * 0.05
    ue_mlp = jax.random.normal(ks[4], (NUM_USERS, EMB), dtype=jnp.float32) * 0.05
    ie_mlp = jax.random.normal(ks[5], (NUM_ITEMS, EMB), dtype=jnp.float32) * 0.05
    W1 = jax.random.normal(ks[6], (2 * EMB, 128), dtype=jnp.float32) * 0.05
    b1 = jnp.zeros((128,), dtype=jnp.float32)
    W2 = jax.random.normal(ks[7], (128, 64), dtype=jnp.float32) * 0.05
    b2 = jnp.zeros((64,), dtype=jnp.float32)
    W3 = jax.random.normal(ks[8], (64, 32), dtype=jnp.float32) * 0.05
    b3 = jnp.zeros((32,), dtype=jnp.float32)
    Wo = jax.random.normal(ks[9], (EMB + 32, 1), dtype=jnp.float32) * 0.05
    bo = jnp.zeros((1,), dtype=jnp.float32)
    return {"user_ids": user_ids, "item_ids": item_ids,
            "ue_gmf": ue_gmf, "ie_gmf": ie_gmf, "ue_mlp": ue_mlp, "ie_mlp": ie_mlp,
            "W1": W1, "b1": b1, "W2": W2, "b2": b2, "W3": W3, "b3": b3,
            "Wo": Wo, "bo": bo}

def reference(user_ids, item_ids, ue_gmf, ie_gmf, ue_mlp, ie_mlp, W1, b1, W2, b2, W3, b3, Wo, bo):
    user_gmf = jnp.take(ue_gmf, user_ids, axis=0)
    item_gmf = jnp.take(ie_gmf, item_ids, axis=0)
    gmf_vector = user_gmf * item_gmf
    user_mlp = jnp.take(ue_mlp, user_ids, axis=0)
    item_mlp = jnp.take(ie_mlp, item_ids, axis=0)
    mlp_vector = jnp.concatenate([user_mlp, item_mlp], axis=-1)
    mlp_vector = jax.nn.relu(mlp_vector @ W1 + b1)
    mlp_vector = jax.nn.relu(mlp_vector @ W2 + b2)
    mlp_vector = jax.nn.relu(mlp_vector @ W3 + b3)
    combined = jnp.concatenate([gmf_vector, mlp_vector], axis=-1)
    return combined @ Wo + bo

if __name__ == "__main__":
    import jax
    _d = setup_inputs()
    print(jax.jit(kernel)(*tuple(_d.values())))

</pallas_src>

<mosaic_0001>
#map = affine_map<(d0, d1) -> (0)>
#map1 = affine_map<(d0, d1) -> (0, 0)>
module attributes {stable_mosaic.version = 14 : i64} {
  func.func @k(%arg0: i32, %arg1: i32, %arg2: memref<16384xi32, #tpu.memory_space<hbm>>, %arg3: memref<100000x128xf32, #tpu.memory_space<hbm>>, %arg4: memref<16384x128xf32, #tpu.memory_space<hbm>>, %arg5: memref<512xi32, #tpu.memory_space<vmem>>, %arg6: memref<128x128xf32, #tpu.memory_space<vmem>>, %arg7: memref<128x128xf32, #tpu.memory_space<vmem>>, %arg8: memref<!tpu.dma_semaphore, #tpu.memory_space<semaphore_mem>>, %arg9: memref<!tpu.dma_semaphore, #tpu.memory_space<semaphore_mem>>) attributes {dimension_semantics = [#tpu.dimension_semantics<core_parallel>, #tpu.dimension_semantics<subcore_parallel>], iteration_bounds = array<i64: 2, 16>, scalar_prefetch = 0 : i64, scratch_operands = 5 : i64, tpu.core_type = #tpu.core_type<sc_vector_subcore>, window_params = [{transform_indices = #map}, {transform_indices = #map1}, {transform_indices = #map1}]} {
    %mul3A = arith.constant 2 : i32
    %mul3A_0 = arith.muli %arg1, %mul3A : i32
    %add3A = arith.addi %mul3A_0, %arg0 : i32
    %mul3A_1 = arith.constant 512 : i32
    %mul3A_2 = arith.muli %add3A, %mul3A_1 : i32
    "tpu.region"() ({
      %run_scoped3A = tpu.sem_alloc : memref<!tpu.dma_semaphore, #tpu.memory_space<semaphore_mem>>
      %dma_start3A_53 = tpu.memref_slice %arg2[%mul3A_2] : memref<16384xi32, #tpu.memory_space<hbm>> -> memref<512xi32, #tpu.memory_space<hbm>>
      %dma_start3A_54 = tpu.memref_slice %arg2[%mul3A_2] : memref<16384xi32, #tpu.memory_space<hbm>> -> memref<512xi32, #tpu.memory_space<hbm>>
      tpu.enqueue_dma source(%dma_start3A_54 : memref<512xi32, #tpu.memory_space<hbm>>) target(%arg5 : memref<512xi32, #tpu.memory_space<vmem>>) target_semaphore(%run_scoped3A : memref<!tpu.dma_semaphore, #tpu.memory_space<semaphore_mem>>)
      %dma_wait3A_55 = tpu.memref_slice %arg2[%mul3A_2] : memref<16384xi32, #tpu.memory_space<hbm>> -> memref<512xi32, #tpu.memory_space<hbm>>
      %dma_wait3A_56 = tpu.memref_slice %arg2[%mul3A_2] : memref<16384xi32, #tpu.memory_space<hbm>> -> memref<512xi32, #tpu.memory_space<hbm>>
      tpu.wait_dma2 semaphore(%run_scoped3A : memref<!tpu.dma_semaphore, #tpu.memory_space<semaphore_mem>>) src(%dma_wait3A_56 : memref<512xi32, #tpu.memory_space<hbm>>) dst(%arg5 : memref<512xi32, #tpu.memory_space<vmem>>)
      tpu.yield
    }) : () -> ()
    %dma_start3A = arith.constant 0 : i32
    %dma_start3A_3 = tpu.memref_slice %arg5[%dma_start3A] : memref<512xi32, #tpu.memory_space<vmem>> -> memref<128xi32, #tpu.memory_space<vmem>>
    %dma_start3A_4 = arith.constant 0 : i32
    %dma_start3A_5 = arith.constant 0 : i32
    %dma_start3A_6 = tpu.memref_slice %arg3[%dma_start3A_4, %dma_start3A_5] : memref<100000x128xf32, #tpu.memory_space<hbm>> -> memref<100000x128xf32, #tpu.memory_space<hbm>>
    tpu.enqueue_indirect_dma source(%dma_start3A_6 : memref<100000x128xf32, #tpu.memory_space<hbm>>) target(%arg6 : memref<128x128xf32, #tpu.memory_space<vmem>>) offsets(%dma_start3A_3 : memref<128xi32, #tpu.memory_space<vmem>>) semaphore(%arg8 : memref<!tpu.dma_semaphore, #tpu.memory_space<semaphore_mem>>)
    %dma_start3A_7 = arith.constant 128 : i32
    %dma_start3A_8 = tpu.memref_slice %arg5[%dma_start3A_7] : memref<512xi32, #tpu.memory_space<vmem>> -> memref<128xi32, #tpu.memory_space<vmem>>
    %dma_start3A_9 = arith.constant 0 : i32
    %dma_start3A_10 = arith.constant 0 : i32
    %dma_start3A_11 = tpu.memref_slice %arg3[%dma_start3A_9, %dma_start3A_10] : memref<100000x128xf32, #tpu.memory_space<hbm>> -> memref<100000x128xf32, #tpu.memory_space<hbm>>
    tpu.enqueue_indirect_dma source(%dma_start3A_11 : memref<100000x128xf32, #tpu.memory_space<hbm>>) target(%arg7 : memref<128x128xf32, #tpu.memory_space<vmem>>) offsets(%dma_start3A_8 : memref<128xi32, #tpu.memory_space<vmem>>) semaphore(%arg9 : memref<!tpu.dma_semaphore, #tpu.memory_space<semaphore_mem>>)
    %dma_wait3A = arith.constant 0 : i32
    %dma_wait3A_12 = arith.constant 0 : i32
    %dma_wait3A_13 = tpu.memref_slice %arg3[%dma_wait3A, %dma_wait3A_12] : memref<100000x128xf32, #tpu.memory_space<hbm>> -> memref<128x128xf32, #tpu.memory_space<hbm>>
    %dma_wait3A_14 = arith.constant 0 : i32
    %dma_wait3A_15 = arith.constant 0 : i32
    %dma_wait3A_16 = tpu.memref_slice %arg3[%dma_wait3A_14, %dma_wait3A_15] : memref<100000x128xf32, #tpu.memory_space<hbm>> -> memref<128x128xf32, #tpu.memory_space<hbm>>
    tpu.wait_dma2 semaphore(%arg8 : memref<!tpu.dma_semaphore, #tpu.memory_space<semaphore_mem>>) src(%dma_wait3A_16 : memref<128x128xf32, #tpu.memory_space<hbm>>) dst(%arg6 : memref<128x128xf32, #tpu.memory_space<vmem>>)
    %add3A_17 = arith.constant 0 : i32
    %add3A_18 = arith.addi %mul3A_2, %add3A_17 : i32
    "tpu.region"() ({
      %run_scoped3A = tpu.sem_alloc : memref<!tpu.dma_semaphore, #tpu.memory_space<semaphore_mem>>
      %dma_start3A_53 = arith.constant 0 : i32
      %dma_start3A_54 = tpu.memref_slice %arg4[%add3A_18, %dma_start3A_53] : memref<16384x128xf32, #tpu.memory_space<hbm>> -> memref<128x128xf32, #tpu.memory_space<hbm>>
      %dma_start3A_55 = arith.constant 0 : i32
      %dma_start3A_56 = tpu.memref_slice %arg4[%add3A_18, %dma_start3A_55] : memref<16384x128xf32, #tpu.memory_space<hbm>> -> memref<128x128xf32, #tpu.memory_space<hbm>>
      tpu.enqueue_dma source(%arg6 : memref<128x128xf32, #tpu.memory_space<vmem>>) target(%dma_start3A_56 : memref<128x128xf32, #tpu.memory_space<hbm>>) target_semaphore(%run_scoped3A : memref<!tpu.dma_semaphore, #tpu.memory_space<semaphore_mem>>)
      %dma_wait3A_57 = arith.constant 0 : i32
      %dma_wait3A_58 = tpu.memref_slice %arg4[%add3A_18, %dma_wait3A_57] : memref<16384x128xf32, #tpu.memory_space<hbm>> -> memref<128x128xf32, #tpu.memory_space<hbm>>
      %dma_wait3A_59 = arith.constant 0 : i32
      %dma_wait3A_60 = tpu.memref_slice %arg4[%add3A_18, %dma_wait3A_59] : memref<16384x128xf32, #tpu.memory_space<hbm>> -> memref<128x128xf32, #tpu.memory_space<hbm>>
      tpu.wait_dma2 semaphore(%run_scoped3A : memref<!tpu.dma_semaphore, #tpu.memory_space<semaphore_mem>>) src(%arg6 : memref<128x128xf32, #tpu.memory_space<vmem>>) dst(%dma_wait3A_60 : memref<128x128xf32, #tpu.memory_space<hbm>>)
      tpu.yield
    }) : () -> ()
    %dma_start3A_19 = arith.constant 256 : i32
    %dma_start3A_20 = tpu.memref_slice %arg5[%dma_start3A_19] : memref<512xi32, #tpu.memory_space<vmem>> -> memref<128xi32, #tpu.memory_space<vmem>>
    %dma_start3A_21 = arith.constant 0 : i32
    %dma_start3A_22 = arith.constant 0 : i32
    %dma_start3A_23 = tpu.memref_slice %arg3[%dma_start3A_21, %dma_start3A_22] : memref<100000x128xf32, #tpu.memory_space<hbm>> -> memref<100000x128xf32, #tpu.memory_space<hbm>>
    tpu.enqueue_indirect_dma source(%dma_start3A_23 : memref<100000x128xf32, #tpu.memory_space<hbm>>) target(%arg6 : memref<128x128xf32, #tpu.memory_space<vmem>>) offsets(%dma_start3A_20 : memref<128xi32, #tpu.memory_space<vmem>>) semaphore(%arg8 : memref<!tpu.dma_semaphore, #tpu.memory_space<semaphore_mem>>)
    %dma_wait3A_24 = arith.constant 0 : i32
    %dma_wait3A_25 = arith.constant 0 : i32
    %dma_wait3A_26 = tpu.memref_slice %arg3[%dma_wait3A_24, %dma_wait3A_25] : memref<100000x128xf32, #tpu.memory_space<hbm>> -> memref<128x128xf32, #tpu.memory_space<hbm>>
    %dma_wait3A_27 = arith.constant 0 : i32
    %dma_wait3A_28 = arith.constant 0 : i32
    %dma_wait3A_29 = tpu.memref_slice %arg3[%dma_wait3A_27, %dma_wait3A_28] : memref<100000x128xf32, #tpu.memory_space<hbm>> -> memref<128x128xf32, #tpu.memory_space<hbm>>
    tpu.wait_dma2 semaphore(%arg9 : memref<!tpu.dma_semaphore, #tpu.memory_space<semaphore_mem>>) src(%dma_wait3A_29 : memref<128x128xf32, #tpu.memory_space<hbm>>) dst(%arg7 : memref<128x128xf32, #tpu.memory_space<vmem>>)
    %add3A_30 = arith.constant 128 : i32
    %add3A_31 = arith.addi %mul3A_2, %add3A_30 : i32
    "tpu.region"() ({
      %run_scoped3A = tpu.sem_alloc : memref<!tpu.dma_semaphore, #tpu.memory_space<semaphore_mem>>
      %dma_start3A_53 = arith.constant 0 : i32
      %dma_start3A_54 = tpu.memref_slice %arg4[%add3A_31, %dma_start3A_53] : memref<16384x128xf32, #tpu.memory_space<hbm>> -> memref<128x128xf32, #tpu.memory_space<hbm>>
      %dma_start3A_55 = arith.constant 0 : i32
      %dma_start3A_56 = tpu.memref_slice %arg4[%add3A_31, %dma_start3A_55] : memref<16384x128xf32, #tpu.memory_space<hbm>> -> memref<128x128xf32, #tpu.memory_space<hbm>>
      tpu.enqueue_dma source(%arg7 : memref<128x128xf32, #tpu.memory_space<vmem>>) target(%dma_start3A_56 : memref<128x128xf32, #tpu.memory_space<hbm>>) target_semaphore(%run_scoped3A : memref<!tpu.dma_semaphore, #tpu.memory_space<semaphore_mem>>)
      %dma_wait3A_57 = arith.constant 0 : i32
      %dma_wait3A_58 = tpu.memref_slice %arg4[%add3A_31, %dma_wait3A_57] : memref<16384x128xf32, #tpu.memory_space<hbm>> -> memref<128x128xf32, #tpu.memory_space<hbm>>
      %dma_wait3A_59 = arith.constant 0 : i32
      %dma_wait3A_60 = tpu.memref_slice %arg4[%add3A_31, %dma_wait3A_59] : memref<16384x128xf32, #tpu.memory_space<hbm>> -> memref<128x128xf32, #tpu.memory_space<hbm>>
      tpu.wait_dma2 semaphore(%run_scoped3A : memref<!tpu.dma_semaphore, #tpu.memory_space<semaphore_mem>>) src(%arg7 : memref<128x128xf32, #tpu.memory_space<vmem>>) dst(%dma_wait3A_60 : memref<128x128xf32, #tpu.memory_space<hbm>>)
      tpu.yield
    }) : () -> ()
    %dma_start3A_32 = arith.constant 384 : i32
    %dma_start3A_33 = tpu.memref_slice %arg5[%dma_start3A_32] : memref<512xi32, #tpu.memory_space<vmem>> -> memref<128xi32, #tpu.memory_space<vmem>>
    %dma_start3A_34 = arith.constant 0 : i32
    %dma_start3A_35 = arith.constant 0 : i32
    %dma_start3A_36 = tpu.memref_slice %arg3[%dma_start3A_34, %dma_start3A_35] : memref<100000x128xf32, #tpu.memory_space<hbm>> -> memref<100000x128xf32, #tpu.memory_space<hbm>>
    tpu.enqueue_indirect_dma source(%dma_start3A_36 : memref<100000x128xf32, #tpu.memory_space<hbm>>) target(%arg7 : memref<128x128xf32, #tpu.memory_space<vmem>>) offsets(%dma_start3A_33 : memref<128xi32, #tpu.memory_space<vmem>>) semaphore(%arg9 : memref<!tpu.dma_semaphore, #tpu.memory_space<semaphore_mem>>)
    %dma_wait3A_37 = arith.constant 0 : i32
    %dma_wait3A_38 = arith.constant 0 : i32
    %dma_wait3A_39 = tpu.memref_slice %arg3[%dma_wait3A_37, %dma_wait3A_38] : memref<100000x128xf32, #tpu.memory_space<hbm>> -> memref<128x128xf32, #tpu.memory_space<hbm>>
    %dma_wait3A_40 = arith.constant 0 : i32
    %dma_wait3A_41 = arith.constant 0 : i32
    %dma_wait3A_42 = tpu.memref_slice %arg3[%dma_wait3A_40, %dma_wait3A_41] : memref<100000x128xf32, #tpu.memory_space<hbm>> -> memref<128x128xf32, #tpu.memory_space<hbm>>
    tpu.wait_dma2 semaphore(%arg8 : memref<!tpu.dma_semaphore, #tpu.memory_space<semaphore_mem>>) src(%dma_wait3A_42 : memref<128x128xf32, #tpu.memory_space<hbm>>) dst(%arg6 : memref<128x128xf32, #tpu.memory_space<vmem>>)
    %add3A_43 = arith.constant 256 : i32
    %add3A_44 = arith.addi %mul3A_2, %add3A_43 : i32
    "tpu.region"() ({
      %run_scoped3A = tpu.sem_alloc : memref<!tpu.dma_semaphore, #tpu.memory_space<semaphore_mem>>
      %dma_start3A_53 = arith.constant 0 : i32
      %dma_start3A_54 = tpu.memref_slice %arg4[%add3A_44, %dma_start3A_53] : memref<16384x128xf32, #tpu.memory_space<hbm>> -> memref<128x128xf32, #tpu.memory_space<hbm>>
      %dma_start3A_55 = arith.constant 0 : i32
      %dma_start3A_56 = tpu.memref_slice %arg4[%add3A_44, %dma_start3A_55] : memref<16384x128xf32, #tpu.memory_space<hbm>> -> memref<128x128xf32, #tpu.memory_space<hbm>>
      tpu.enqueue_dma source(%arg6 : memref<128x128xf32, #tpu.memory_space<vmem>>) target(%dma_start3A_56 : memref<128x128xf32, #tpu.memory_space<hbm>>) target_semaphore(%run_scoped3A : memref<!tpu.dma_semaphore, #tpu.memory_space<semaphore_mem>>)
      %dma_wait3A_57 = arith.constant 0 : i32
      %dma_wait3A_58 = tpu.memref_slice %arg4[%add3A_44, %dma_wait3A_57] : memref<16384x128xf32, #tpu.memory_space<hbm>> -> memref<128x128xf32, #tpu.memory_space<hbm>>
      %dma_wait3A_59 = arith.constant 0 : i32
      %dma_wait3A_60 = tpu.memref_slice %arg4[%add3A_44, %dma_wait3A_59] : memref<16384x128xf32, #tpu.memory_space<hbm>> -> memref<128x128xf32, #tpu.memory_space<hbm>>
      tpu.wait_dma2 semaphore(%run_scoped3A : memref<!tpu.dma_semaphore, #tpu.memory_space<semaphore_mem>>) src(%arg6 : memref<128x128xf32, #tpu.memory_space<vmem>>) dst(%dma_wait3A_60 : memref<128x128xf32, #tpu.memory_space<hbm>>)
      tpu.yield
    }) : () -> ()
    %dma_wait3A_45 = arith.constant 0 : i32
    %dma_wait3A_46 = arith.constant 0 : i32
    %dma_wait3A_47 = tpu.memref_slice %arg3[%dma_wait3A_45, %dma_wait3A_46] : memref<100000x128xf32, #tpu.memory_space<hbm>> -> memref<128x128xf32, #tpu.memory_space<hbm>>
    %dma_wait3A_48 = arith.constant 0 : i32
    %dma_wait3A_49 = arith.constant 0 : i32
    %dma_wait3A_50 = tpu.memref_slice %arg3[%dma_wait3A_48, %dma_wait3A_49] : memref<100000x128xf32, #tpu.memory_space<hbm>> -> memref<128x128xf32, #tpu.memory_space<hbm>>
    tpu.wait_dma2 semaphore(%arg9 : memref<!tpu.dma_semaphore, #tpu.memory_space<semaphore_mem>>) src(%dma_wait3A_50 : memref<128x128xf32, #tpu.memory_space<hbm>>) dst(%arg7 : memref<128x128xf32, #tpu.memory_space<vmem>>)
    %add3A_51 = arith.constant 384 : i32
    %add3A_52 = arith.addi %mul3A_2, %add3A_51 : i32
    "tpu.region"() ({
      %run_scoped3A = tpu.sem_alloc : memref<!tpu.dma_semaphore, #tpu.memory_space<semaphore_mem>>
      %dma_start3A_53 = arith.constant 0 : i32
      %dma_start3A_54 = tpu.memref_slice %arg4[%add3A_52, %dma_start3A_53] : memref<16384x128xf32, #tpu.memory_space<hbm>> -> memref<128x128xf32, #tpu.memory_space<hbm>>
      %dma_start3A_55 = arith.constant 0 : i32
      %dma_start3A_56 = tpu.memref_slice %arg4[%add3A_52, %dma_start3A_55] : memref<16384x128xf32, #tpu.memory_space<hbm>> -> memref<128x128xf32, #tpu.memory_space<hbm>>
      tpu.enqueue_dma source(%arg7 : memref<128x128xf32, #tpu.memory_space<vmem>>) target(%dma_start3A_56 : memref<128x128xf32, #tpu.memory_space<hbm>>) target_semaphore(%run_scoped3A : memref<!tpu.dma_semaphore, #tpu.memory_space<semaphore_mem>>)
      %dma_wait3A_57 = arith.constant 0 : i32
      %dma_wait3A_58 = tpu.memref_slice %arg4[%add3A_52, %dma_wait3A_57] : memref<16384x128xf32, #tpu.memory_space<hbm>> -> memref<128x128xf32, #tpu.memory_space<hbm>>
      %dma_wait3A_59 = arith.constant 0 : i32
      %dma_wait3A_60 = tpu.memref_slice %arg4[%add3A_52, %dma_wait3A_59] : memref<16384x128xf32, #tpu.memory_space<hbm>> -> memref<128x128xf32, #tpu.memory_space<hbm>>
      tpu.wait_dma2 semaphore(%run_scoped3A : memref<!tpu.dma_semaphore, #tpu.memory_space<semaphore_mem>>) src(%arg7 : memref<128x128xf32, #tpu.memory_space<vmem>>) dst(%dma_wait3A_60 : memref<128x128xf32, #tpu.memory_space<hbm>>)
      tpu.yield
    }) : () -> ()
    return
  }
}

#map = affine_map<(d0, d1) -> (0)>
#map1 = affine_map<(d0, d1) -> (0, 0)>
module attributes {stable_mosaic.version = 14 : i64} {
  func.func @k(%arg0: i32, %arg1: i32, %arg2: memref<16384xi32, #tpu.memory_space<hbm>>, %arg3: memref<100000x128xf32, #tpu.memory_space<hbm>>, %arg4: memref<16384x128xf32, #tpu.memory_space<hbm>>, %arg5: memref<512xi32, #tpu.memory_space<vmem>>, %arg6: memref<128x128xf32, #tpu.memory_space<vmem>>, %arg7: memref<128x128xf32, #tpu.memory_space<vmem>>, %arg8: memref<!tpu.dma_semaphore, #tpu.memory_space<semaphore_mem>>, %arg9: memref<!tpu.dma_semaphore, #tpu.memory_space<semaphore_mem>>) attributes {dimension_semantics = [#tpu.dimension_semantics<core_parallel>, #tpu.dimension_semantics<subcore_parallel>], iteration_bounds = array<i64: 2, 16>, scalar_prefetch = 0 : i64, scratch_operands = 5 : i64, tpu.core_type = #tpu.core_type<sc_vector_subcore>, window_params = [{transform_indices = #map}, {transform_indices = #map1}, {transform_indices = #map1}]} {
    %mul3A = arith.constant 2 : i32
    %mul3A_0 = arith.muli %arg1, %mul3A : i32
    %add3A = arith.addi %mul3A_0, %arg0 : i32
    %mul3A_1 = arith.constant 512 : i32
    %mul3A_2 = arith.muli %add3A, %mul3A_1 : i32
    "tpu.region"() ({
      %run_scoped3A = tpu.sem_alloc : memref<!tpu.dma_semaphore, #tpu.memory_space<semaphore_mem>>
      %dma_start3A_53 = tpu.memref_slice %arg2[%mul3A_2] : memref<16384xi32, #tpu.memory_space<hbm>> -> memref<512xi32, #tpu.memory_space<hbm>>
      %dma_start3A_54 = tpu.memref_slice %arg2[%mul3A_2] : memref<16384xi32, #tpu.memory_space<hbm>> -> memref<512xi32, #tpu.memory_space<hbm>>
      tpu.enqueue_dma source(%dma_start3A_54 : memref<512xi32, #tpu.memory_space<hbm>>) target(%arg5 : memref<512xi32, #tpu.memory_space<vmem>>) target_semaphore(%run_scoped3A : memref<!tpu.dma_semaphore, #tpu.memory_space<semaphore_mem>>)
      %dma_wait3A_55 = tpu.memref_slice %arg2[%mul3A_2] : memref<16384xi32, #tpu.memory_space<hbm>> -> memref<512xi32, #tpu.memory_space<hbm>>
      %dma_wait3A_56 = tpu.memref_slice %arg2[%mul3A_2] : memref<16384xi32, #tpu.memory_space<hbm>> -> memref<512xi32, #tpu.memory_space<hbm>>
      tpu.wait_dma2 semaphore(%run_scoped3A : memref<!tpu.dma_semaphore, #tpu.memory_space<semaphore_mem>>) src(%dma_wait3A_56 : memref<512xi32, #tpu.memory_space<hbm>>) dst(%arg5 : memref<512xi32, #tpu.memory_space<vmem>>)
      tpu.yield
    }) : () -> ()
    %dma_start3A = arith.constant 0 : i32
    %dma_start3A_3 = tpu.memref_slice %arg5[%dma_start3A] : memref<512xi32, #tpu.memory_space<vmem>> -> memref<128xi32, #tpu.memory_space<vmem>>
    %dma_start3A_4 = arith.constant 0 : i32
    %dma_start3A_5 = arith.constant 0 : i32
    %dma_start3A_6 = tpu.memref_slice %arg3[%dma_start3A_4, %dma_start3A_5] : memref<100000x128xf32, #tpu.memory_space<hbm>> -> memref<100000x128xf32, #tpu.memory_space<hbm>>
    tpu.enqueue_indirect_dma source(%dma_start3A_6 : memref<100000x128xf32, #tpu.memory_space<hbm>>) target(%arg6 : memref<128x128xf32, #tpu.memory_space<vmem>>) offsets(%dma_start3A_3 : memref<128xi32, #tpu.memory_space<vmem>>) semaphore(%arg8 : memref<!tpu.dma_semaphore, #tpu.memory_space<semaphore_mem>>)
    %dma_start3A_7 = arith.constant 128 : i32
    %dma_start3A_8 = tpu.memref_slice %arg5[%dma_start3A_7] : memref<512xi32, #tpu.memory_space<vmem>> -> memref<128xi32, #tpu.memory_space<vmem>>
    %dma_start3A_9 = arith.constant 0 : i32
    %dma_start3A_10 = arith.constant 0 : i32
    %dma_start3A_11 = tpu.memref_slice %arg3[%dma_start3A_9, %dma_start3A_10] : memref<100000x128xf32, #tpu.memory_space<hbm>> -> memref<100000x128xf32, #tpu.memory_space<hbm>>
    tpu.enqueue_indirect_dma source(%dma_start3A_11 : memref<100000x128xf32, #tpu.memory_space<hbm>>) target(%arg7 : memref<128x128xf32, #tpu.memory_space<vmem>>) offsets(%dma_start3A_8 : memref<128xi32, #tpu.memory_space<vmem>>) semaphore(%arg9 : memref<!tpu.dma_semaphore, #tpu.memory_space<semaphore_mem>>)
    %dma_wait3A = arith.constant 0 : i32
    %dma_wait3A_12 = arith.constant 0 : i32
    %dma_wait3A_13 = tpu.memref_slice %arg3[%dma_wait3A, %dma_wait3A_12] : memref<100000x128xf32, #tpu.memory_space<hbm>> -> memref<128x128xf32, #tpu.memory_space<hbm>>
    %dma_wait3A_14 = arith.constant 0 : i32
    %dma_wait3A_15 = arith.constant 0 : i32
    %dma_wait3A_16 = tpu.memref_slice %arg3[%dma_wait3A_14, %dma_wait3A_15] : memref<100000x128xf32, #tpu.memory_space<hbm>> -> memref<128x128xf32, #tpu.memory_space<hbm>>
    tpu.wait_dma2 semaphore(%arg8 : memref<!tpu.dma_semaphore, #tpu.memory_space<semaphore_mem>>) src(%dma_wait3A_16 : memref<128x128xf32, #tpu.memory_space<hbm>>) dst(%arg6 : memref<128x128xf32, #tpu.memory_space<vmem>>)
    %add3A_17 = arith.constant 0 : i32
    %add3A_18 = arith.addi %mul3A_2, %add3A_17 : i32
    "tpu.region"() ({
      %run_scoped3A = tpu.sem_alloc : memref<!tpu.dma_semaphore, #tpu.memory_space<semaphore_mem>>
      %dma_start3A_53 = arith.constant 0 : i32
      %dma_start3A_54 = tpu.memref_slice %arg4[%add3A_18, %dma_start3A_53] : memref<16384x128xf32, #tpu.memory_space<hbm>> -> memref<128x128xf32, #tpu.memory_space<hbm>>
      %dma_start3A_55 = arith.constant 0 : i32
      %dma_start3A_56 = tpu.memref_slice %arg4[%add3A_18, %dma_start3A_55] : memref<16384x128xf32, #tpu.memory_space<hbm>> -> memref<128x128xf32, #tpu.memory_space<hbm>>
      tpu.enqueue_dma source(%arg6 : memref<128x128xf32, #tpu.memory_space<vmem>>) target(%dma_start3A_56 : memref<128x128xf32, #tpu.memory_space<hbm>>) target_semaphore(%run_scoped3A : memref<!tpu.dma_semaphore, #tpu.memory_space<semaphore_mem>>)
      %dma_wait3A_57 = arith.constant 0 : i32
      %dma_wait3A_58 = tpu.memref_slice %arg4[%add3A_18, %dma_wait3A_57] : memref<16384x128xf32, #tpu.memory_space<hbm>> -> memref<128x128xf32, #tpu.memory_space<hbm>>
      %dma_wait3A_59 = arith.constant 0 : i32
      %dma_wait3A_60 = tpu.memref_slice %arg4[%add3A_18, %dma_wait3A_59] : memref<16384x128xf32, #tpu.memory_space<hbm>> -> memref<128x128xf32, #tpu.memory_space<hbm>>
      tpu.wait_dma2 semaphore(%run_scoped3A : memref<!tpu.dma_semaphore, #tpu.memory_space<semaphore_mem>>) src(%arg6 : memref<128x128xf32, #tpu.memory_space<vmem>>) dst(%dma_wait3A_60 : memref<128x128xf32, #tpu.memory_space<hbm>>)
      tpu.yield
    }) : () -> ()
    %dma_start3A_19 = arith.constant 256 : i32
    %dma_start3A_20 = tpu.memref_slice %arg5[%dma_start3A_19] : memref<512xi32, #tpu.memory_space<vmem>> -> memref<128xi32, #tpu.memory_space<vmem>>
    %dma_start3A_21 = arith.constant 0 : i32
    %dma_start3A_22 = arith.constant 0 : i32
    %dma_start3A_23 = tpu.memref_slice %arg3[%dma_start3A_21, %dma_start3A_22] : memref<100000x128xf32, #tpu.memory_space<hbm>> -> memref<100000x128xf32, #tpu.memory_space<hbm>>
    tpu.enqueue_indirect_dma source(%dma_start3A_23 : memref<100000x128xf32, #tpu.memory_space<hbm>>) target(%arg6 : memref<128x128xf32, #tpu.memory_space<vmem>>) offsets(%dma_start3A_20 : memref<128xi32, #tpu.memory_space<vmem>>) semaphore(%arg8 : memref<!tpu.dma_semaphore, #tpu.memory_space<semaphore_mem>>)
    %dma_wait3A_24 = arith.constant 0 : i32
    %dma_wait3A_25 = arith.constant 0 : i32
    %dma_wait3A_26 = tpu.memref_slice %arg3[%dma_wait3A_24, %dma_wait3A_25] : memref<100000x128xf32, #tpu.memory_space<hbm>> -> memref<128x128xf32, #tpu.memory_space<hbm>>
    %dma_wait3A_27 = arith.constant 0 : i32
    %dma_wait3A_28 = arith.constant 0 : i32
    %dma_wait3A_29 = tpu.memref_slice %arg3[%dma_wait3A_27, %dma_wait3A_28] : memref<100000x128xf32, #tpu.memory_space<hbm>> -> memref<128x128xf32, #tpu.memory_space<hbm>>
    tpu.wait_dma2 semaphore(%arg9 : memref<!tpu.dma_semaphore, #tpu.memory_space<semaphore_mem>>) src(%dma_wait3A_29 : memref<128x128xf32, #tpu.memory_space<hbm>>) dst(%arg7 : memref<128x128xf32, #tpu.memory_space<vmem>>)
    %add3A_30 = arith.constant 128 : i32
    %add3A_31 = arith.addi %mul3A_2, %add3A_30 : i32
    "tpu.region"() ({
      %run_scoped3A = tpu.sem_alloc : memref<!tpu.dma_semaphore, #tpu.memory_space<semaphore_mem>>
      %dma_start3A_53 = arith.constant 0 : i32
      %dma_start3A_54 = tpu.memref_slice %arg4[%add3A_31, %dma_start3A_53] : memref<16384x128xf32, #tpu.memory_space<hbm>> -> memref<128x128xf32, #tpu.memory_space<hbm>>
      %dma_start3A_55 = arith.constant 0 : i32
      %dma_start3A_56 = tpu.memref_slice %arg4[%add3A_31, %dma_start3A_55] : memref<16384x128xf32, #tpu.memory_space<hbm>> -> memref<128x128xf32, #tpu.memory_space<hbm>>
      tpu.enqueue_dma source(%arg7 : memref<128x128xf32, #tpu.memory_space<vmem>>) target(%dma_start3A_56 : memref<128x128xf32, #tpu.memory_space<hbm>>) target_semaphore(%run_scoped3A : memref<!tpu.dma_semaphore, #tpu.memory_space<semaphore_mem>>)
      %dma_wait3A_57 = arith.constant 0 : i32
      %dma_wait3A_58 = tpu.memref_slice %arg4[%add3A_31, %dma_wait3A_57] : memref<16384x128xf32, #tpu.memory_space<hbm>> -> memref<128x128xf32, #tpu.memory_space<hbm>>
      %dma_wait3A_59 = arith.constant 0 : i32
      %dma_wait3A_60 = tpu.memref_slice %arg4[%add3A_31, %dma_wait3A_59] : memref<16384x128xf32, #tpu.memory_space<hbm>> -> memref<128x128xf32, #tpu.memory_space<hbm>>
      tpu.wait_dma2 semaphore(%run_scoped3A : memref<!tpu.dma_semaphore, #tpu.memory_space<semaphore_mem>>) src(%arg7 : memref<128x128xf32, #tpu.memory_space<vmem>>) dst(%dma_wait3A_60 : memref<128x128xf32, #tpu.memory_space<hbm>>)
      tpu.yield
    }) : () -> ()
    %dma_start3A_32 = arith.constant 384 : i32
    %dma_start3A_33 = tpu.memref_slice %arg5[%dma_start3A_32] : memref<512xi32, #tpu.memory_space<vmem>> -> memref<128xi32, #tpu.memory_space<vmem>>
    %dma_start3A_34 = arith.constant 0 : i32
    %dma_start3A_35 = arith.constant 0 : i32
    %dma_start3A_36 = tpu.memref_slice %arg3[%dma_start3A_34, %dma_start3A_35] : memref<100000x128xf32, #tpu.memory_space<hbm>> -> memref<100000x128xf32, #tpu.memory_space<hbm>>
    tpu.enqueue_indirect_dma source(%dma_start3A_36 : memref<100000x128xf32, #tpu.memory_space<hbm>>) target(%arg7 : memref<128x128xf32, #tpu.memory_space<vmem>>) offsets(%dma_start3A_33 : memref<128xi32, #tpu.memory_space<vmem>>) semaphore(%arg9 : memref<!tpu.dma_semaphore, #tpu.memory_space<semaphore_mem>>)
    %dma_wait3A_37 = arith.constant 0 : i32
    %dma_wait3A_38 = arith.constant 0 : i32
    %dma_wait3A_39 = tpu.memref_slice %arg3[%dma_wait3A_37, %dma_wait3A_38] : memref<100000x128xf32, #tpu.memory_space<hbm>> -> memref<128x128xf32, #tpu.memory_space<hbm>>
    %dma_wait3A_40 = arith.constant 0 : i32
    %dma_wait3A_41 = arith.constant 0 : i32
    %dma_wait3A_42 = tpu.memref_slice %arg3[%dma_wait3A_40, %dma_wait3A_41] : memref<100000x128xf32, #tpu.memory_space<hbm>> -> memref<128x128xf32, #tpu.memory_space<hbm>>
    tpu.wait_dma2 semaphore(%arg8 : memref<!tpu.dma_semaphore, #tpu.memory_space<semaphore_mem>>) src(%dma_wait3A_42 : memref<128x128xf32, #tpu.memory_space<hbm>>) dst(%arg6 : memref<128x128xf32, #tpu.memory_space<vmem>>)
    %add3A_43 = arith.constant 256 : i32
    %add3A_44 = arith.addi %mul3A_2, %add3A_43 : i32
    "tpu.region"() ({
      %run_scoped3A = tpu.sem_alloc : memref<!tpu.dma_semaphore, #tpu.memory_space<semaphore_mem>>
      %dma_start3A_53 = arith.constant 0 : i32
      %dma_start3A_54 = tpu.memref_slice %arg4[%add3A_44, %dma_start3A_53] : memref<16384x128xf32, #tpu.memory_space<hbm>> -> memref<128x128xf32, #tpu.memory_space<hbm>>
      %dma_start3A_55 = arith.constant 0 : i32
      %dma_start3A_56 = tpu.memref_slice %arg4[%add3A_44, %dma_start3A_55] : memref<16384x128xf32, #tpu.memory_space<hbm>> -> memref<128x128xf32, #tpu.memory_space<hbm>>
      tpu.enqueue_dma source(%arg6 : memref<128x128xf32, #tpu.memory_space<vmem>>) target(%dma_start3A_56 : memref<128x128xf32, #tpu.memory_space<hbm>>) target_semaphore(%run_scoped3A : memref<!tpu.dma_semaphore, #tpu.memory_space<semaphore_mem>>)
      %dma_wait3A_57 = arith.constant 0 : i32
      %dma_wait3A_58 = tpu.memref_slice %arg4[%add3A_44, %dma_wait3A_57] : memref<16384x128xf32, #tpu.memory_space<hbm>> -> memref<128x128xf32, #tpu.memory_space<hbm>>
      %dma_wait3A_59 = arith.constant 0 : i32
      %dma_wait3A_60 = tpu.memref_slice %arg4[%add3A_44, %dma_wait3A_59] : memref<16384x128xf32, #tpu.memory_space<hbm>> -> memref<128x128xf32, #tpu.memory_space<hbm>>
      tpu.wait_dma2 semaphore(%run_scoped3A : memref<!tpu.dma_semaphore, #tpu.memory_space<semaphore_mem>>) src(%arg6 : memref<128x128xf32, #tpu.memory_space<vmem>>) dst(%dma_wait3A_60 : memref<128x128xf32, #tpu.memory_space<hbm>>)
      tpu.yield
    }) : () -> ()
    %dma_wait3A_45 = arith.constant 0 : i32
    %dma_wait3A_46 = arith.constant 0 : i32
    %dma_wait3A_47 = tpu.memref_slice %arg3[%dma_wait3A_45, %dma_wait3A_46] : memref<100000x128xf32, #tpu.memory_space<hbm>> -> memref<128x128xf32, #tpu.memory_space<hbm>>
    %dma_wait3A_48 = arith.constant 0 : i32
    %dma_wait3A_49 = arith.constant 0 : i32
    %dma_wait3A_50 = tpu.memref_slice %arg3[%dma_wait3A_48, %dma_wait3A_49] : memref<100000x128xf32, #tpu.memory_space<hbm>> -> memref<128x128xf32, #tpu.memory_space<hbm>>
    tpu.wait_dma2 semaphore(%arg9 : memref<!tpu.dma_semaphore, #tpu.memory_space<semaphore_mem>>) src(%dma_wait3A_50 : memref<128x128xf32, #tpu.memory_space<hbm>>) dst(%arg7 : memref<128x128xf32, #tpu.memory_space<vmem>>)
    %add3A_51 = arith.constant 384 : i32
    %add3A_52 = arith.addi %mul3A_2, %add3A_51 : i32
    "tpu.region"() ({
      %run_scoped3A = tpu.sem_alloc : memref<!tpu.dma_semaphore, #tpu.memory_space<semaphore_mem>>
      %dma_start3A_53 = arith.constant 0 : i32
      %dma_start3A_54 = tpu.memref_slice %arg4[%add3A_52, %dma_start3A_53] : memref<16384x128xf32, #tpu.memory_space<hbm>> -> memref<128x128xf32, #tpu.memory_space<hbm>>
      %dma_start3A_55 = arith.constant 0 : i32
      %dma_start3A_56 = tpu.memref_slice %arg4[%add3A_52, %dma_start3A_55] : memref<16384x128xf32, #tpu.memory_space<hbm>> -> memref<128x128xf32, #tpu.memory_space<hbm>>
      tpu.enqueue_dma source(%arg7 : memref<128x128xf32, #tpu.memory_space<vmem>>) target(%dma_start3A_56 : memref<128x128xf32, #tpu.memory_space<hbm>>) target_semaphore(%run_scoped3A : memref<!tpu.dma_semaphore, #tpu.memory_space<semaphore_mem>>)
      %dma_wait3A_57 = arith.constant 0 : i32
      %dma_wait3A_58 = tpu.memref_slice %arg4[%add3A_52, %dma_wait3A_57] : memref<16384x128xf32, #tpu.memory_space<hbm>> -> memref<128x128xf32, #tpu.memory_space<hbm>>
      %dma_wait3A_59 = arith.constant 0 : i32
      %dma_wait3A_60 = tpu.memref_slice %arg4[%add3A_52, %dma_wait3A_59] : memref<16384x128xf32, #tpu.memory_space<hbm>> -> memref<128x128xf32, #tpu.memory_space<hbm>>
      tpu.wait_dma2 semaphore(%run_scoped3A : memref<!tpu.dma_semaphore, #tpu.memory_space<semaphore_mem>>) src(%arg7 : memref<128x128xf32, #tpu.memory_space<vmem>>) dst(%dma_wait3A_60 : memref<128x128xf32, #tpu.memory_space<hbm>>)
      tpu.yield
    }) : () -> ()
    return
  }
}

module attributes {stable_mosaic.version = 14 : i64} {
  func.func @_pack_body(%arg0: i32, %arg1: memref<64x8192xf32, #tpu.memory_space<vmem>>, %arg2: memref<64x8192xf32, #tpu.memory_space<vmem>>, %arg3: memref<8192x128xf32, #tpu.memory_space<vmem>>) attributes {dimension_semantics = [#tpu.dimension_semantics<arbitrary>], iteration_bounds = array<i64: 13>, scalar_prefetch = 0 : i64, scratch_operands = 0 : i64, tpu.core_type = #tpu.core_type<tc>, window_params = [{transform_indices = @transform_0, window_bounds = array<i64: 64, 8192>}, {transform_indices = @transform_1, window_bounds = array<i64: 64, 8192>}, {transform_indices = @transform_2, window_bounds = array<i64: 8192, 128>}]} {
    %iota3A = tpu.iota {dimensions = array<i32: 0>} : vector<64x64xi32>
    %iota3A_0 = tpu.iota {dimensions = array<i32: 1>} : vector<64x64xi32>
    %add3A = arith.constant 0 : i32
    %add3A_1 = vector.broadcast %add3A : i32 to vector<64x64xi32>
    %add3A_2 = arith.addi %iota3A, %add3A_1 : vector<64x64xi32>
    %eq3A = arith.cmpi eq, %add3A_2, %iota3A_0 : vector<64x64xi32>
    %convert_element_type3A = arith.extui %eq3A : vector<64x64xi1> to vector<64x64xi32>
    %convert_element_type3A_3 = arith.sitofp %convert_element_type3A : vector<64x64xi32> to vector<64x64xf32>
    %get3A = arith.constant 0 : index
    %get3A_4 = arith.constant 0 : index
    %get3A_5 = vector.load %arg1[%get3A, %get3A_4] : memref<64x8192xf32, #tpu.memory_space<vmem>>, vector<64x8192xf32>
    %dot_general3A = arith.constant dense<0.000000e+00> : vector<8192x64xf32>
    %dot_general3A_6 = tpu.matmul %get3A_5, %convert_element_type3A_3, %dot_general3A {dimension_numbers = #tpu.dot_dimension_numbers<[0], [0], [1], [1], [0, 1, 1, 1], [], []>, transpose_lhs_hint = false} : vector<64x8192xf32>, vector<64x64xf32>, vector<8192x64xf32> -> vector<8192x64xf32>
    %swap3A = arith.constant 0 : index
    %swap3A_7 = arith.constant 0 : index
    %swap3A_8 = vector.load %arg3[%swap3A, %swap3A_7] : memref<8192x128xf32, #tpu.memory_space<vmem>>, vector<8192x64xf32>
    tpu.vector_store %arg3[%swap3A, %swap3A_7], %dot_general3A_6 {strides = array<i32>} : memref<8192x128xf32, #tpu.memory_space<vmem>>, vector<8192x64xf32>,
    %get3A_9 = arith.constant 0 : index
    %get3A_10 = arith.constant 0 : index
    %get3A_11 = vector.load %arg2[%get3A_9, %get3A_10] : memref<64x8192xf32, #tpu.memory_space<vmem>>, vector<64x8192xf32>
    %dot_general3A_12 = arith.constant dense<0.000000e+00> : vector<8192x64xf32>
    %dot_general3A_13 = tpu.matmul %get3A_11, %convert_element_type3A_3, %dot_general3A_12 {dimension_numbers = #tpu.dot_dimension_numbers<[0], [0], [1], [1], [0, 1, 1, 1], [], []>, transpose_lhs_hint = false} : vector<64x8192xf32>, vector<64x64xf32>, vector<8192x64xf32> -> vector<8192x64xf32>
    %swap3A_14 = arith.constant 0 : index
    %swap3A_15 = arith.constant 64 : index
    %swap3A_16 = vector.load %arg3[%swap3A_14, %swap3A_15] : memref<8192x128xf32, #tpu.memory_space<vmem>>, vector<8192x64xf32>
    tpu.vector_store %arg3[%swap3A_14, %swap3A_15], %dot_general3A_13 {strides = array<i32>} : memref<8192x128xf32, #tpu.memory_space<vmem>>, vector<8192x64xf32>,
    return
  }
  func.func @transform_0(%arg0: i32) -> (i32, i32) {
    %c0_i32 = arith.constant 0 : i32
    %c0_i32_0 = arith.constant 0 : i32
    return %c0_i32, %arg0 : i32, i32
  }
  func.func @transform_1(%arg0: i32) -> (i32, i32) {
    %c0_i32 = arith.constant 0 : i32
    %c0_i32_0 = arith.constant 0 : i32
    return %c0_i32, %arg0 : i32, i32
  }
  func.func @transform_2(%arg0: i32) -> (i32, i32) {
    %c0_i32 = arith.constant 0 : i32
    %c0_i32_0 = arith.constant 0 : i32
    return %arg0, %c0_i32 : i32, i32
  }
}

module attributes {stable_mosaic.version = 14 : i64} {
  func.func @_mlp_body(%arg0: i32, %arg1: memref<4096x128xf32, #tpu.memory_space<vmem>>, %arg2: memref<4096x128xf32, #tpu.memory_space<vmem>>, %arg3: memref<64x128xf32, #tpu.memory_space<vmem>>, %arg4: memref<64x128xf32, #tpu.memory_space<vmem>>, %arg5: memref<1x128xf32, #tpu.memory_space<vmem>>, %arg6: memref<128x64xf32, #tpu.memory_space<vmem>>, %arg7: memref<1x64xf32, #tpu.memory_space<vmem>>, %arg8: memref<64x32xf32, #tpu.memory_space<vmem>>, %arg9: memref<1x32xf32, #tpu.memory_space<vmem>>, %arg10: memref<64x1xf32, #tpu.memory_space<vmem>>, %arg11: memref<32x1xf32, #tpu.memory_space<vmem>>, %arg12: memref<1x1xf32, #tpu.memory_space<vmem>>, %arg13: memref<4096x1xf32, #tpu.memory_space<vmem>>) attributes {dimension_semantics = [#tpu.dimension_semantics<arbitrary>], iteration_bounds = array<i64: 4>, scalar_prefetch = 0 : i64, scratch_operands = 0 : i64, tpu.core_type = #tpu.core_type<tc>, window_params = [{transform_indices = @transform_0, window_bounds = array<i64: 4096, 128>}, {transform_indices = @transform_1, window_bounds = array<i64: 4096, 128>}, {pipeline_mode = #tpu.pipeline_mode<synchronous>, transform_indices = @transform_2, window_bounds = array<i64: 64, 128>}, {pipeline_mode = #tpu.pipeline_mode<synchronous>, transform_indices = @transform_3, window_bounds = array<i64: 64, 128>}, {pipeline_mode = #tpu.pipeline_mode<synchronous>, transform_indices = @transform_4, window_bounds = array<i64: 1, 128>}, {pipeline_mode = #tpu.pipeline_mode<synchronous>, transform_indices = @transform_5, window_bounds = array<i64: 128, 64>}, {pipeline_mode = #tpu.pipeline_mode<synchronous>, transform_indices = @transform_6, window_bounds = array<i64: 1, 64>}, {pipeline_mode = #tpu.pipeline_mode<synchronous>, transform_indices = @transform_7, window_bounds = array<i64: 64, 32>}, {pipeline_mode = #tpu.pipeline_mode<synchronous>, transform_indices = @transform_8, window_bounds = array<i64: 1, 32>}, {pipeline_mode = #tpu.pipeline_mode<synchronous>, transform_indices = @transform_9, window_bounds = array<i64: 64, 1>}, {pipeline_mode = #tpu.pipeline_mode<synchronous>, transform_indices = @transform_10, window_bounds = array<i64: 32, 1>}, {pipeline_mode = #tpu.pipeline_mode<synchronous>, transform_indices = @transform_11, window_bounds = array<i64: 1, 1>}, {transform_indices = @transform_12, window_bounds = array<i64: 4096, 1>}]} {
    %get3A = arith.constant 0 : index
    %get3A_0 = arith.constant 64 : index
    %get3A_1 = vector.load %arg1[%get3A, %get3A_0] : memref<4096x128xf32, #tpu.memory_space<vmem>>, vector<4096x64xf32>
    %get3A_2 = arith.constant 0 : index
    %get3A_3 = arith.constant 64 : index
    %get3A_4 = vector.load %arg2[%get3A_2, %get3A_3] : memref<4096x128xf32, #tpu.memory_space<vmem>>, vector<4096x64xf32>
    %get3A_5 = arith.constant 0 : index
    %get3A_6 = arith.constant 0 : index
    %get3A_7 = vector.load %arg3[%get3A_5, %get3A_6] : memref<64x128xf32, #tpu.memory_space<vmem>>, vector<64x128xf32>
    %dot_general3A = arith.constant dense<0.000000e+00> : vector<4096x128xf32>
    %dot_general3A_8 = tpu.matmul %get3A_1, %get3A_7, %dot_general3A {dimension_numbers = #tpu.dot_dimension_numbers<[1], [0], [0], [1], [0, 0, 1, 1], [], []>, transpose_lhs_hint = false} : vector<4096x64xf32>, vector<64x128xf32>, vector<4096x128xf32> -> vector<4096x128xf32>
    %get3A_9 = arith.constant 0 : index
    %get3A_10 = arith.constant 0 : index
    %get3A_11 = vector.load %arg4[%get3A_9, %get3A_10] : memref<64x128xf32, #tpu.memory_space<vmem>>, vector<64x128xf32>
    %dot_general3A_12 = arith.constant dense<0.000000e+00> : vector<4096x128xf32>
    %dot_general3A_13 = tpu.matmul %get3A_4, %get3A_11, %dot_general3A_12 {dimension_numbers = #tpu.dot_dimension_numbers<[1], [0], [0], [1], [0, 0, 1, 1], [], []>, transpose_lhs_hint = false} : vector<4096x64xf32>, vector<64x128xf32>, vector<4096x128xf32> -> vector<4096x128xf32>
    %add3A = arith.addf %dot_general3A_8, %dot_general3A_13 : vector<4096x128xf32>
    %get3A_14 = arith.constant 0 : index
    %get3A_15 = arith.constant 0 : index
    %get3A_16 = vector.load %arg5[%get3A_14, %get3A_15] : memref<1x128xf32, #tpu.memory_space<vmem>>, vector<1x128xf32>
    %add3A_17 = vector.broadcast %get3A_16 : vector<1x128xf32> to vector<4096x128xf32>
    %add3A_18 = arith.addf %add3A, %add3A_17 : vector<4096x128xf32>
    %max3A = arith.constant 0.000000e+00 : f32
    %max3A_19 = vector.broadcast %max3A : f32 to vector<4096x128xf32>
    %max3A_20 = arith.maximumf %add3A_18, %max3A_19 : vector<4096x128xf32>
    %get3A_21 = arith.constant 0 : index
    %get3A_22 = arith.constant 0 : index
    %get3A_23 = vector.load %arg6[%get3A_21, %get3A_22] : memref<128x64xf32, #tpu.memory_space<vmem>>, vector<128x64xf32>
    %dot_general3A_24 = arith.constant dense<0.000000e+00> : vector<4096x64xf32>
    %dot_general3A_25 = tpu.matmul %max3A_20, %get3A_23, %dot_general3A_24 {dimension_numbers = #tpu.dot_dimension_numbers<[1], [0], [0], [1], [0, 0, 1, 1], [], []>, transpose_lhs_hint = false} : vector<4096x128xf32>, vector<128x64xf32>, vector<4096x64xf32> -> vector<4096x64xf32>
    %get3A_26 = arith.constant 0 : index
    %get3A_27 = arith.constant 0 : index
    %get3A_28 = vector.load %arg7[%get3A_26, %get3A_27] : memref<1x64xf32, #tpu.memory_space<vmem>>, vector<1x64xf32>
    %add3A_29 = vector.broadcast %get3A_28 : vector<1x64xf32> to vector<4096x64xf32>
    %add3A_30 = arith.addf %dot_general3A_25, %add3A_29 : vector<4096x64xf32>
    %max3A_31 = arith.constant 0.000000e+00 : f32
    %max3A_32 = vector.broadcast %max3A_31 : f32 to vector<4096x64xf32>
    %max3A_33 = arith.maximumf %add3A_30, %max3A_32 : vector<4096x64xf32>
    %get3A_34 = arith.constant 0 : index
    %get3A_35 = arith.constant 0 : index
    %get3A_36 = vector.load %arg8[%get3A_34, %get3A_35] : memref<64x32xf32, #tpu.memory_space<vmem>>, vector<64x32xf32>
    %dot_general3A_37 = arith.constant dense<0.000000e+00> : vector<4096x32xf32>
    %dot_general3A_38 = tpu.matmul %max3A_33, %get3A_36, %dot_general3A_37 {dimension_numbers = #tpu.dot_dimension_numbers<[1], [0], [0], [1], [0, 0, 1, 1], [], []>, transpose_lhs_hint = false} : vector<4096x64xf32>, vector<64x32xf32>, vector<4096x32xf32> -> vector<4096x32xf32>
    %get3A_39 = arith.constant 0 : index
    %get3A_40 = arith.constant 0 : index
    %get3A_41 = vector.load %arg9[%get3A_39, %get3A_40] : memref<1x32xf32, #tpu.memory_space<vmem>>, vector<1x32xf32>
    %add3A_42 = vector.broadcast %get3A_41 : vector<1x32xf32> to vector<4096x32xf32>
    %add3A_43 = arith.addf %dot_general3A_38, %add3A_42 : vector<4096x32xf32>
    %max3A_44 = arith.constant 0.000000e+00 : f32
    %max3A_45 = vector.broadcast %max3A_44 : f32 to vector<4096x32xf32>
    %max3A_46 = arith.maximumf %add3A_43, %max3A_45 : vector<4096x32xf32>
    %get3A_47 = arith.constant 0 : index
    %get3A_48 = arith.constant 0 : index
    %get3A_49 = vector.load %arg1[%get3A_47, %get3A_48] : memref<4096x128xf32, #tpu.memory_space<vmem>>, vector<4096x64xf32>
    %get3A_50 = arith.constant 0 : index
    %get3A_51 = arith.constant 0 : index
    %get3A_52 = vector.load %arg2[%get3A_50, %get3A_51] : memref<4096x128xf32, #tpu.memory_space<vmem>>, vector<4096x64xf32>
    %mul3A = arith.mulf %get3A_49, %get3A_52 : vector<4096x64xf32>
    %get3A_53 = arith.constant 0 : index
    %get3A_54 = arith.constant 0 : index
    %get3A_55 = vector.load %arg10[%get3A_53, %get3A_54] : memref<64x1xf32, #tpu.memory_space<vmem>>, vector<64x1xf32>
    %dot_general3A_56 = arith.constant dense<0.000000e+00> : vector<4096x1xf32>
    %dot_general3A_57 = tpu.matmul %mul3A, %get3A_55, %dot_general3A_56 {dimension_numbers = #tpu.dot_dimension_numbers<[1], [0], [0], [1], [0, 0, 1, 1], [], []>, transpose_lhs_hint = false} : vector<4096x64xf32>, vector<64x1xf32>, vector<4096x1xf32> -> vector<4096x1xf32>
    %get3A_58 = arith.constant 0 : index
    %get3A_59 = arith.constant 0 : index
    %get3A_60 = vector.load %arg11[%get3A_58, %get3A_59] : memref<32x1xf32, #tpu.memory_space<vmem>>, vector<32x1xf32>
    %dot_general3A_61 = arith.constant dense<0.000000e+00> : vector<4096x1xf32>
    %dot_general3A_62 = tpu.matmul %max3A_46, %get3A_60, %dot_general3A_61 {dimension_numbers = #tpu.dot_dimension_numbers<[1], [0], [0], [1], [0, 0, 1, 1], [], []>, transpose_lhs_hint = false} : vector<4096x32xf32>, vector<32x1xf32>, vector<4096x1xf32> -> vector<4096x1xf32>
    %add3A_63 = arith.addf %dot_general3A_57, %dot_general3A_62 : vector<4096x1xf32>
    %get3A_64 = arith.constant 0 : index
    %get3A_65 = arith.constant 0 : index
    %get3A_66 = vector.load %arg12[%get3A_64, %get3A_65] : memref<1x1xf32, #tpu.memory_space<vmem>>, vector<1x1xf32>
    %add3A_67 = vector.broadcast %get3A_66 : vector<1x1xf32> to vector<4096x1xf32>
    %add3A_68 = arith.addf %add3A_63, %add3A_67 : vector<4096x1xf32>
    %swap3A = arith.constant 0 : index
    %swap3A_69 = arith.constant 0 : index
    %swap3A_70 = vector.load %arg13[%swap3A, %swap3A_69] : memref<4096x1xf32, #tpu.memory_space<vmem>>, vector<4096x1xf32>
    tpu.vector_store %arg13[%swap3A, %swap3A_69], %add3A_68 {strides = array<i32>} : memref<4096x1xf32, #tpu.memory_space<vmem>>, vector<4096x1xf32>,
    return
  }
  func.func @transform_0(%arg0: i32) -> (i32, i32) {
    %c0_i32 = arith.constant 0 : i32
    %c0_i32_0 = arith.constant 0 : i32
    return %arg0, %c0_i32 : i32, i32
  }
  func.func @transform_1(%arg0: i32) -> (i32, i32) {
    %c0_i32 = arith.constant 0 : i32
    %c0_i32_0 = arith.constant 0 : i32
    return %arg0, %c0_i32 : i32, i32
  }
  func.func @transform_2(%arg0: i32) -> (i32, i32) {
    %c0_i32 = arith.constant 0 : i32
    %c0_i32_0 = arith.constant 0 : i32
    %c0_i32_1 = arith.constant 0 : i32
    return %c0_i32, %c0_i32_0 : i32, i32
  }
  func.func @transform_3(%arg0: i32) -> (i32, i32) {
    %c0_i32 = arith.constant 0 : i32
    %c0_i32_0 = arith.constant 0 : i32
    %c0_i32_1 = arith.constant 0 : i32
    return %c0_i32, %c0_i32_0 : i32, i32
  }
  func.func @transform_4(%arg0: i32) -> (i32, i32) {
    %c0_i32 = arith.constant 0 : i32
    %c0_i32_0 = arith.constant 0 : i32
    %c0_i32_1 = arith.constant 0 : i32
    return %c0_i32, %c0_i32_0 : i32, i32
  }
  func.func @transform_5(%arg0: i32) -> (i32, i32) {
    %c0_i32 = arith.constant 0 : i32
    %c0_i32_0 = arith.constant 0 : i32
    %c0_i32_1 = arith.constant 0 : i32
    return %c0_i32, %c0_i32_0 : i32, i32
  }
  func.func @transform_6(%arg0: i32) -> (i32, i32) {
    %c0_i32 = arith.constant 0 : i32
    %c0_i32_0 = arith.constant 0 : i32
    %c0_i32_1 = arith.constant 0 : i32
    return %c0_i32, %c0_i32_0 : i32, i32
  }
  func.func @transform_7(%arg0: i32) -> (i32, i32) {
    %c0_i32 = arith.constant 0 : i32
    %c0_i32_0 = arith.constant 0 : i32
    %c0_i32_1 = arith.constant 0 : i32
    return %c0_i32, %c0_i32_0 : i32, i32
  }
  func.func @transform_8(%arg0: i32) -> (i32, i32) {
    %c0_i32 = arith.constant 0 : i32
    %c0_i32_0 = arith.constant 0 : i32
    %c0_i32_1 = arith.constant 0 : i32
    return %c0_i32, %c0_i32_0 : i32, i32
  }
  func.func @transform_9(%arg0: i32) -> (i32, i32) {
    %c0_i32 = arith.constant 0 : i32
    %c0_i32_0 = arith.constant 0 : i32
    %c0_i32_1 = arith.constant 0 : i32
    return %c0_i32, %c0_i32_0 : i32, i32
  }
  func.func @transform_10(%arg0: i32) -> (i32, i32) {
    %c0_i32 = arith.constant 0 : i32
    %c0_i32_0 = arith.constant 0 : i32
    %c0_i32_1 = arith.constant 0 : i32
    return %c0_i32, %c0_i32_0 : i32, i32
  }
  func.func @transform_11(%arg0: i32) -> (i32, i32) {
    %c0_i32 = arith.constant 0 : i32
    %c0_i32_0 = arith.constant 0 : i32
    %c0_i32_1 = arith.constant 0 : i32
    return %c0_i32, %c0_i32_0 : i32, i32
  }
  func.func @transform_12(%arg0: i32) -> (i32, i32) {
    %c0_i32 = arith.constant 0 : i32
    %c0_i32_0 = arith.constant 0 : i32
    return %arg0, %c0_i32 : i32, i32
  }
}

</mosaic_0001>

<sc_bundles>
// kernel: kernel.10.cloned.1.call-start
scs
__scs_entry_jumppad:
0x0: {  	(pc) =	sbr.rel $0x88, $3  }
0x1: {  	(tag) =	ssettag $0x0;
	lr =	simm.s32 $0x1  }
0x2: {  	[smem:$0x3F93] =	sst lr;
	_ =	strace $0xD0000000  }
0x3: {  	_ = 	snop  }
0x4: {  	_ = 	snop  }
0x5: {  	_ = 	snop  }
0x6: {  	_ = 	snop  }
0x7: {  	_ = 	snop  }
__scs_overlays_trampoline_lowered:
0x8: {  	[smem:$0x3FA2] =	sst s0  }
0x9: {  	[smem:$0x3FA3] =	sst s1  }
0xa: {  	[smem:$0x3FA4] =	sst s2  }
0xb: {  	[smem:$0x3FA5] =	sst s3  }
0xc: {  	[smem:$0x3FA6] =	sst s4  }
0xd: {  	[smem:$0x3FA7] =	sst s5  }
0xe: {  	[smem:$0x3FA8] =	sst s6  }
0xf: {  	[smem:$0x3FA9] =	sst s7  }
0x10: {  	[smem:$0x3FAA] =	sst s8  }
0x11: {  	[smem:$0x3FAB] =	sst s9;
	s0 =	simm.s32 @!p0 $0x0  }
0x12: {  	s1 =	sld [smem:$0x3F91];
	s0 =	simm.s32 @p0 $0x1  }
0x13: {  	[smem:$0x3FAC] =	sst s0;
	s0 =	simm.s32 @!p1 $0x0  }
0x14: {  	s2 =	sld [smem:$0x3F90];
	s0 =	simm.s32 @p1 $0x1  }
0x15: {  	[smem:$0x3FAD] =	sst s0;
	s0 =	simm.s32 @!p2 $0x0  }
0x16: {  	s3 =	sld [smem:$0x3FDB];
	s0 =	simm.s32 @p2 $0x1  }
0x17: {  	s4 =	simm.s32 $0x1BF5;
	[smem:$0x3FAF] =	sst s0  }
0x18: {  	s0 =	sld [smem:$0x3F92];
	_ =	swait.ge [sflag:s4], $0x0  }
0x19: {  	s7 =	sld [smem:$0x3F93]  }
0x1a: {  	s8 =	sadd.s32 $0xFFFFE003, lr  }
0x1b: {  	s9 =	sadd.s32 $0xFFFFFEF7, lr;
	s5 =	simm.s32 $0xFFFFFFFF;
	p2 =	slt.u32 s8, $0xFFFFF086  }
0x1c: {  	p1 =	slt.u32 s9, $0xF7A;
	s5 =	simm.s32 @!p2 $0x0  }
0x1d: {  	s5 =	simm.s32 @p1 $0x1;
	p0 =	seq.s32 s7, s2  }
0x1e: {  	s7 =	smul.u32 @!p0 $0xF7A, s2;
	p2 =	seq.s32 @!p0 s5, $0x0  }
0x1f: {  	s9 =	smul.u32 $0xF7A, s1;
	s8 =	simm.s32 @!p0 $0x1BF5;
	p2 =	por !p2, p0  }
0x20: {  	[sflag:s8] =	ssyncset.s32 @!p0 $0xFFFFF086;
	s6 =	sadd.s32 @!p0 s3, s7;
	s7 =	simm.s32 @!p0 $0x108  }
0x21: {  	s3 =	sadd.s32 s3, s9;
	s6 =	sadd.s32 @!p0 $0x88, s6;
	s7 =	simm.s32 @p2 $0x1082  }
0x22: {  	[simem:s7], [sflag:s8] =	dma.local @!p0 [hbm:s6], $0xF7A  }
0x23: {  	s9 =	sor.u32 $0xD0000000, s2;
	s6 =	simm.s32 $0x108;
	_ =	swait.ge @!p0 [sflag:s8], $0x0  }
0x24: {  	s3 =	sadd.s32 $0x88, s3;
	s6 =	simm.s32 @!p1 $0x1082;
	[sflag:s4] =	ssyncset.s32 $0xFFFFF086  }
0x25: {  	[simem:s6], [sflag:s4] =	dma.local [hbm:s3], $0xF7A  }
0x26: {  	[smem:$0x3F93] =	sst s1;
	(tag) =	ssettag s2;
	_ =	strace s9  }
0x27: {  	s1 =	sld [smem:$0x3FA3]  }
0x28: {  	s2 =	sld [smem:$0x3FA4]  }
0x29: {  	s4 =	sld [smem:$0x3FA6]  }
0x2a: {  	p0 =	seq.s32 s5, $0x0;
	s5 =	sld [smem:$0x3FA7]  }
0x2b: {  	s6 =	sld [smem:$0x3FA8]  }
0x2c: {  	s7 =	sld [smem:$0x3FA9]  }
0x2d: {  	s3 =	simm.s32 $0x108;
	s8 =	sld [smem:$0x3FAA]  }
0x2e: {  	s3 =	simm.s32 @!p0 $0x1082;
	s9 =	sld [smem:$0x3FAB]  }
0x2f: {  	lr =	sadd.s32 s0, s3;
	s0 =	sld [smem:$0x3FA2]  }
0x30: {  	s3 =	sld [smem:$0x3FA5]  }
0x31: {  	[smem:$0x3FAE] =	sst s10  }
0x32: {  	s10 =	sld [smem:$0x3FAC];
	_ =	sdelay $0x3  }
0x33: {  	p0 =	seq.s32 s10, $0x1;
	s10 =	sld [smem:$0x3FAE];
	_ =	sdelay $0x3  }
0x34: {  	[smem:$0x3FAE] =	sst s10  }
0x35: {  	s10 =	sld [smem:$0x3FAD];
	_ =	sdelay $0x3  }
0x36: {  	p1 =	seq.s32 s10, $0x1;
	s10 =	sld [smem:$0x3FAE];
	_ =	sdelay $0x3  }
0x37: {  	[smem:$0x3FAE] =	sst s10  }
0x38: {  	s10 =	sld [smem:$0x3FAF]  }
0x39: {  	_ = 	snop;
	(pc) =	sbr.ind lr, $3  }
0x3a: {  	_ = 	snop  }
0x3b: {  	_ = 	snop  }
0x3c: {  	p2 =	seq.s32 s10, $0x1;
	s10 =	sld [smem:$0x3FAE]  }
0x3d: {  	_ =	shalt  }
0x3e: {  	_ =	shalt  }
0x3f: {  	_ =	shalt  }
0x40: {  	_ =	shalt  }
0x41: {  	_ =	shalt  }
0x42: {  	_ =	shalt  }
0x43: {  	_ =	shalt  }
0x44: {  	_ =	shalt  }
0x45: {  	_ =	shalt  }
0x46: {  	_ =	shalt  }
0x47: {  	_ =	shalt  }
0x48: {  	_ =	shalt  }
0x49: {  	_ =	shalt  }
0x4a: {  	_ =	shalt  }
0x4b: {  	_ =	shalt  }
0x4c: {  	_ =	shalt  }
0x4d: {  	_ =	shalt  }
0x4e: {  	_ =	shalt  }
0x4f: {  	_ =	shalt  }
0x50: {  	_ =	shalt  }
0x51: {  	_ =	shalt  }
0x52: {  	_ =	shalt  }
0x53: {  	_ =	shalt  }
0x54: {  	_ =	shalt  }
0x55: {  	_ =	shalt  }
0x56: {  	_ =	shalt  }
0x57: {  	_ =	shalt  }
0x58: {  	_ =	shalt  }
0x59: {  	_ =	shalt  }
0x5a: {  	_ =	shalt  }
0x5b: {  	_ =	shalt  }
0x5c: {  	_ =	shalt  }
0x5d: {  	_ =	shalt  }
0x5e: {  	_ =	shalt  }
0x5f: {  	_ =	shalt  }
0x60: {  	_ =	shalt  }
0x61: {  	_ =	shalt  }
0x62: {  	_ =	shalt  }
0x63: {  	_ =	shalt  }
0x64: {  	_ =	shalt  }
0x65: {  	_ =	shalt  }
0x66: {  	_ =	shalt  }
0x67: {  	_ =	shalt  }
0x68: {  	_ =	shalt  }
0x69: {  	_ =	shalt  }
0x6a: {  	_ =	shalt  }
0x6b: {  	_ =	shalt  }
0x6c: {  	_ =	shalt  }
0x6d: {  	_ =	shalt  }
0x6e: {  	_ =	shalt  }
0x6f: {  	_ =	shalt  }
0x70: {  	_ =	shalt  }
0x71: {  	_ =	shalt  }
0x72: {  	_ =	shalt  }
0x73: {  	_ =	shalt  }
0x74: {  	_ =	shalt  }
0x75: {  	_ =	shalt  }
0x76: {  	_ =	shalt  }
0x77: {  	_ =	shalt  }
0x78: {  	_ =	shalt  }
0x79: {  	_ =	shalt  }
0x7a: {  	_ =	shalt  }
0x7b: {  	_ =	shalt  }
0x7c: {  	_ =	shalt  }
0x7d: {  	_ =	shalt  }
0x7e: {  	_ =	shalt  }
0x7f: {  	_ =	shalt  }
0x80: {  	_ =	shalt  }
0x81: {  	_ =	shalt  }
0x82: {  	_ =	shalt  }
0x83: {  	_ =	shalt  }
0x84: {  	_ =	shalt  }
0x85: {  	_ =	shalt  }
0x86: {  	_ =	shalt  }
0x87: {  	_ =	shalt  }
.Lfunc_end0:
.L_simem_size_0:
called_computation.1_lowered:
.L_overlay_start_0:
0x88: {  	s2 =	sld [smem:$0x3FD9]  }
0x89: {  	s3 =	sld [smem:$0x3FFE];
	_ =	sdelay $0x1  }
0x8a: {  	s1 =	srdreg.scid  }
0x8b: {  	s0 =	sand.u32 $0x1, s1  }
0x8c: {  	s17 =	sshll.u32 s0, $0xA;
	s2 =	sadd.s32 s3, s2  }
0x8d: {  	s2 =	sadd.s32 s2, s17  }
0x8e: {  	[smem:$0x3FBA] =	sst s2  }
0x8f: {  	_ = 	snop  }
0x90: {  	s18 =	sld [smem:$0x3FC8];
	(tm) =	ssettm $0x1  }
0x91: {  	s19 =	sld [smem:$0x3FFB];
	_ =	sdelay $0x3  }
0x92: {  	_ =	strace s19  }
0x93: {  	s2 =	sld [smem:$0x3FFC];
	_ =	sdelay $0x3  }
0x94: {  	_ =	strace s2  }
0x95: {  	s2 =	sld [smem:$0x3FFD];
	_ =	sdelay $0x3  }
0x96: {  	_ =	strace s2  }
0x97: {  	_ =	strace $0x8FFFFFFF  }
0x98: {  	s20 =	sld [smem:$0x3FDB];
	_ =	sdelay $0x1  }
0x99: {  	s4 =	simm.s32 $_scs_section_size  }
0x9a: {  	s5 =	simm.s32 $_size__tile_overlayer_lowered;
	s6 =	simm.s32 $_tile_overlayer_lowered  }
0x9b: {  	s7 =	simm.s32 $0x1BFF;
	s21 =	sshll.u32 s6, $0x1;
	s4 =	sadd.s32 s4, s20  }
0x9c: {  	s22 =	simm.s32 $0x0;
	s5 =	sshll.u32 s5, $0x1;
	s6 =	sadd.s32 s21, s4  }
0x9d: {  	[timem:s22], [sflag:s7] =	dma.local [hbm:s6], s5  }
0x9e: {  	_ =	swait.ge [sflag:s7], s5  }
0x9f: {  	s5 =	ssub.s32 $0x0, s5;
	[sflag:s7] =	ssyncset.done $0x0  }
0xa0: {  	[sflag:s7] =	ssyncadd.s32 s5;
	_ =	sdelay $0x1  }
0xa1: {  	s23 =	simm.s32 $0x1B8B  }
0xa2: {  	_ =	swait.ge [sflag:s23], $0x1  }
0xa3: {  	[sflag:s23] =	ssyncset.done $0x0  }
0xa4: {  	[sflag:s23] =	ssyncadd.s32 $0xFFFFFFFF  }
0xa5: {  	s5 =	sld [smem:$0x0]  }
0xa6: {  	s6 =	sand.u32 $0xFFFFFFFE, s1  }
0xa7: {  	p0 =	sne.s32 s1, s6  }
0xa8: {  	s6 =	sshll.u32 @p0 s6, $0xE  }
0xa9: {  	s6 =	sadd.s32 @p0 $0x11B8D, s6;
	s7 =	sshll.u32 @p0 s5, $0x11  }
0xaa: {  	s6 =	sor.u32 @p0 s7, s6  }
0xab: {  	[sflag:s6] =	ssyncadd.remote.s32 @p0 $0x1;
	_ =	sdelay $0x1  }
0xac: {  	s6 =	simm.s32 @p0 $0x1B8D  }
0xad: {  	_ =	swait.eq @p0 [sflag:s6], $0x1  }
0xae: {  	[sflag:s6] =	ssyncadd.s32 @p0 $0xFFFFFFFF  }
0xaf: {  	s7 =	sshll.u32 @!p0 s1, $0xE  }
0xb0: {  	s7 =	sor.u32 @!p0 $0x4000, s7;
	s6 =	simm.s32 @!p0 $0x1B8D  }
0xb1: {  	s5 =	sshll.u32 @!p0 s5, $0x11;
	s7 =	sadd.s32 @!p0 $0x11B8D, s7;
	_ =	swait.eq @!p0 [sflag:s6], $0x1  }
0xb2: {  	s5 =	sor.u32 @!p0 s5, s7;
	[sflag:s6] =	ssyncadd.s32 @!p0 $0xFFFFFFFF  }
0xb3: {  	s25 =	simm.s32 $0x1B8E;
	s24 =	sld [smem:$0x3FFE];
	[sflag:s5] =	ssyncadd.remote.s32 @!p0 $0x1  }
0xb4: {  	s26 =	simm.s32 $execute0_lowered;
	[smem:$0x3FD2] =	sst s25  }
0xb5: {  	s6 =	sshll.u32 s26, $0x1;
	_ =	strace $0x80000049;
	[dreg:$0x1] =	wrdreg $0xFFFFFFFF  }
0xb6: {  	s28 =	simm.s32 $_size_execute0_lowered;
	s4 =	sadd.s32 s4, s6;
	[dreg:$0x0] =	wrdreg $0x0  }
0xb7: {  	s6 =	sshll.u32 s28, $0x1;
	[dreg:$0x2] =	wrdreg s4  }
0xb8: {  	[dreg:$0x3] =	wrdreg s6  }
0xb9: {  	[dreg:$0x4] =	wrdreg $0xC0  }
0xba: {  	_ =	task [dreg:s22], $0x5FFFF  }
0xbb: {  	[dreg:$0x1] =	wrdreg $0xFFFFFFFF  }
0xbc: {  	[dreg:$0x0] =	wrdreg $0x60  }
0xbd: {  	[dreg:$0x2] =	wrdreg s18  }
0xbe: {  	[dreg:$0x3] =	wrdreg s24  }
0xbf: {  	[dreg:$0x4] =	wrdreg $0xA  }
0xc0: {  	_ =	task.clear_ibuf [dreg:s22], $0x5FFFF;
	_ =	strace $0x90000049  }
0xc1: {  	s29 =	simm.s32 $0xA;
	_ =	strace $0x8000004B  }
0xc2: {  	_ =	swait.ge [sflag:s29], $0x1  }
0xc3: {  	[sflag:s29] =	ssyncadd.s32 $0xFFFFFFFF  }
0xc4: {  	_ =	strace $0x9000004B  }
0xc5: {  	_ =	sfence  }
0xc6: {  	s30 =	sld [smem:$0x0];
	_ =	sdelay $0x2  }
0xc7: {  	s31 =	sshll.u32 s1, $0xD;
	s1 =	sshrl.u32 s1, $0x2  }
0xc8: {  	s4 =	sand.u32 $0x4000, s31;
	s1 =	sadd.s32 s1, s30  }
0xc9: {  	s0 =	sor.u32 s4, s0;
	s1 =	sshll.u32 s1, $0x11  }
0xca: {  	s0 =	sor.u32 s1, s0  }
0xcb: {  	s0 =	sadd.s32 $0x8F2B, s0  }
0xcc: {  	[sflag:s0] =	ssyncadd.remote.s32 $0x1  }
0xcd: {  	_ =	sfence.sel $0xFFFF  }
0xce: {  	[dreg:$0x0] =	wrdreg $0xFFFFFFFF;
	(pc) =	sbr.abs _section_cstart, $3  }
0xcf: {  	[dreg:$0x1] =	wrdreg $0xFFFFFFFF  }
0xd0: {  	_ =	task.clear_ibuf [dreg:s22], $0x2FFFF;
	_ =	strace $0x9FFFFFFF  }
0xd1: {  	(tm) =	ssettm $0x7FFFFFFF  }
tec
execute0_lowered:
.L_overlay_start_1:
0x0: {  	(tag) =	ssettag $0x1  }
0x1: {  	s1 =	srdreg.scid  }
0x2: {  	s3 =	rddreg [dreg:$0x0];
	s0 =	stileid.u32;
	s16 =	sand.u32 $0x1, s1  }
0x3: {  	s10 =	rddreg [dreg:$0x1];
	s4 =	sshll.u32 s0, $0xA;
	s5 =	sshll.u32 s16, $0x9  }
0x4: {  	s2 =	simm.s32 $0x0;
	s1 =	rddreg [dreg:$0x2];
	s11 =	sor.u32 s5, s4  }
0x5: {  	[smem:$0x7FF] =	sst s2;
	s4 =	sshrl.u32 s11, $0x3  }
0x6: {  	_ =	strace $0x8000004A;
	s4 =	sadd.s32 s3, s4;
	s3 =	simm.s32 $0x3  }
0x7: {  	[tilespmem:s2], [sflag:$0x3] =	stream.linear.gather [hbm4b:s4+s2], $0x200, $0x38;
	[tilespmem:$0x8200] =	vst v63  }
0x8: {  	_ =	swait.ge [sflag:s3], $0x200  }
0x9: {  	s6 =	simm.s32 $0x80;
	[sflag:s3] =	ssyncset.done $0x0  }
0xa: {  	s7 =	simm.s32 $0x200;
	s5 =	sadd.s32 $0x1C8400, s10;
	[sflag:s3] =	ssyncadd.s32 $0xFFFFFE00  }
0xb: {  	[tilespmem:s7], [sflag:$0x1] =	stream.indirect.gather [hbm4b:s5+s6], $0x80, s2, s6, $0xb8;
	[tilespmem:$0x8200] =	vst v63  }
0xc: {  	s8 =	simm.s32 $0x4200;
	s9 =	simm.s32 $0x1  }
0xd: {  	[tilespmem:s8], [sflag:$0x2] =	stream.indirect.gather [hbm4b:s5+s6], $0x80, s6, s6, $0xb8;
	[tilespmem:$0x8200] =	vst v63  }
0xe: {  	s11 =	sshll.u32 s11, $0x4;
	_ =	swait.ge [sflag:s9], $0x4000  }
0xf: {  	s17 =	sadd.s32 s11, s10;
	[sflag:s9] =	ssyncset.done $0x0  }
0x10: {  	s10 =	sadd.s32 $0x34EE00, s17;
	[sflag:s9] =	ssyncadd.s32 $0xFFFFC000  }
0x11: {  	[hbm4b:s10+s2] =	stream.linear.scatter [tilespmem:s7], [sflag:$0x3], $0x4000, $0x38;
	[tilespmem:$0x8200] =	vst v63  }
0x12: {  	_ =	swait.ge [sflag:s3], $0x4000  }
0x13: {  	[sflag:s3] =	ssyncset.done $0x0  }
0x14: {  	s12 =	simm.s32 $0x2;
	s11 =	simm.s32 $0x100;
	[sflag:s3] =	ssyncadd.s32 $0xFFFFC000  }
0x15: {  	[tilespmem:s7], [sflag:$0x1] =	stream.indirect.gather [hbm4b:s5+s6], $0x80, s11, s6, $0xb8;
	[tilespmem:$0x8200] =	vst v63  }
0x16: {  	_ =	swait.ge [sflag:s12], $0x4000  }
0x17: {  	[sflag:s12] =	ssyncset.done $0x0  }
0x18: {  	s13 =	sadd.s32 $0x34F600, s17;
	[sflag:s12] =	ssyncadd.s32 $0xFFFFC000  }
0x19: {  	[hbm4b:s13+s2] =	stream.linear.scatter [tilespmem:s8], [sflag:$0x3], $0x4000, $0x38;
	[tilespmem:$0x8200] =	vst v63  }
0x1a: {  	_ =	swait.ge [sflag:s3], $0x4000  }
0x1b: {  	[sflag:s3] =	ssyncset.done $0x0  }
0x1c: {  	s14 =	simm.s32 $0x180;
	[sflag:s3] =	ssyncadd.s32 $0xFFFFC000  }
0x1d: {  	[tilespmem:s8], [sflag:$0x2] =	stream.indirect.gather [hbm4b:s5+s6], $0x80, s14, s6, $0xb8;
	[tilespmem:$0x8200] =	vst v63  }
0x1e: {  	_ =	swait.ge [sflag:s9], $0x4000  }
0x1f: {  	[sflag:s9] =	ssyncset.done $0x0  }
0x20: {  	s16 =	ssub.s32 $0x2, s16;
	s15 =	sadd.s32 $0x34FE00, s17;
	[sflag:s9] =	ssyncadd.s32 $0xFFFFC000  }
0x21: {  	[hbm4b:s15+s2] =	stream.linear.scatter [tilespmem:s7], [sflag:$0x3], $0x4000, $0x38;
	[tilespmem:$0x8200] =	vst v63  }
0x22: {  	s18 =	sshrl.u32 s16, $0x1;
	_ =	swait.ge [sflag:s3], $0x4000  }
0x23: {  	s18 =	ssub.s32 s16, s18;
	[sflag:s3] =	ssyncset.done $0x0  }
0x24: {  	s31 =	smax.u32 s18, $0x1;
	[sflag:s3] =	ssyncadd.s32 $0xFFFFC000  }
0x25: {  	p0 =	sne.s32 s31, $0x1;
	_ =	swait.ge [sflag:s12], $0x4000  }
.Ltmp0:
0x26: {  	[sflag:s12] =	ssyncset.done $0x0;
	(pc) =	sbr.rel @!p0 .LBB2_2-.Ltmp0, $4  }
0x27: {  	s16 =	sadd.s32 $0x350600, s17;
	[sflag:s12] =	ssyncadd.s32 $0xFFFFC000  }
0x28: {  	[hbm4b:s16+s2] =	stream.linear.scatter [tilespmem:s8], [sflag:$0x3], $0x4000, $0x38;
	[tilespmem:$0x8200] =	vst v63  }
0x29: {  	_ =	swait.ge [sflag:s3], $0x4000  }
0x2a: {  	s17 =	sadd.s32 $0xFFFFFFFF, s31;
	[sflag:s3] =	ssyncset.done $0x0  }
.LBB2_1:
0x2b: {  	p0 =	sne.s32 s17, $0x1;
	s17 =	sadd.s32 $0xFFFFFFFF, s17;
	[sflag:s3] =	ssyncadd.s32 $0xFFFFC000  }
0x2c: {  	[tilespmem:s2], [sflag:$0x3] =	stream.linear.gather [hbm4b:s4+s2], $0x200, $0x38;
	[tilespmem:$0x8200] =	vst v63  }
0x2d: {  	_ =	swait.ge [sflag:s3], $0x200  }
0x2e: {  	[sflag:s3] =	ssyncset.done $0x0  }
0x2f: {  	[sflag:s3] =	ssyncadd.s32 $0xFFFFFE00  }
0x30: {  	[tilespmem:s7], [sflag:$0x1] =	stream.indirect.gather [hbm4b:s5+s6], $0x80, s2, s6, $0xb8;
	[tilespmem:$0x8200] =	vst v63  }
0x31: {  	_ = 	snop  }
0x32: {  	[tilespmem:s8], [sflag:$0x2] =	stream.indirect.gather [hbm4b:s5+s6], $0x80, s6, s6, $0xb8;
	[tilespmem:$0x8200] =	vst v63  }
0x33: {  	_ =	swait.ge [sflag:s9], $0x4000  }
0x34: {  	[sflag:s9] =	ssyncset.done $0x0  }
0x35: {  	[sflag:s9] =	ssyncadd.s32 $0xFFFFC000  }
0x36: {  	[hbm4b:s10+s2] =	stream.linear.scatter [tilespmem:s7], [sflag:$0x3], $0x4000, $0x38;
	[tilespmem:$0x8200] =	vst v63  }
0x37: {  	_ =	swait.ge [sflag:s3], $0x4000  }
0x38: {  	[sflag:s3] =	ssyncset.done $0x0  }
0x39: {  	[sflag:s3] =	ssyncadd.s32 $0xFFFFC000  }
0x3a: {  	[tilespmem:s7], [sflag:$0x1] =	stream.indirect.gather [hbm4b:s5+s6], $0x80, s11, s6, $0xb8;
	[tilespmem:$0x8200] =	vst v63  }
0x3b: {  	_ =	swait.ge [sflag:s12], $0x4000  }
0x3c: {  	[sflag:s12] =	ssyncset.done $0x0  }
0x3d: {  	[sflag:s12] =	ssyncadd.s32 $0xFFFFC000  }
0x3e: {  	[hbm4b:s13+s2] =	stream.linear.scatter [tilespmem:s8], [sflag:$0x3], $0x4000, $0x38;
	[tilespmem:$0x8200] =	vst v63  }
0x3f: {  	_ =	swait.ge [sflag:s3], $0x4000  }
0x40: {  	[sflag:s3] =	ssyncset.done $0x0  }
0x41: {  	[sflag:s3] =	ssyncadd.s32 $0xFFFFC000  }
0x42: {  	[tilespmem:s8], [sflag:$0x2] =	stream.indirect.gather [hbm4b:s5+s6], $0x80, s14, s6, $0xb8;
	[tilespmem:$0x8200] =	vst v63  }
0x43: {  	_ =	swait.ge [sflag:s9], $0x4000  }
0x44: {  	[sflag:s9] =	ssyncset.done $0x0  }
0x45: {  	[sflag:s9] =	ssyncadd.s32 $0xFFFFC000  }
0x46: {  	[hbm4b:s15+s2] =	stream.linear.scatter [tilespmem:s7], [sflag:$0x3], $0x4000, $0x38;
	[tilespmem:$0x8200] =	vst v63  }
0x47: {  	_ =	swait.ge [sflag:s3], $0x4000  }
0x48: {  	[sflag:s3] =	ssyncset.done $0x0  }
0x49: {  	[sflag:s3] =	ssyncadd.s32 $0xFFFFC000  }
0x4a: {  	_ =	swait.ge [sflag:s12], $0x4000  }
.Ltmp1:
0x4b: {  	[sflag:s12] =	ssyncset.done $0x0;
	(pc) =	sbr.rel @p0 .LBB2_1-.Ltmp1, $4  }
0x4c: {  	[sflag:s12] =	ssyncadd.s32 $0xFFFFC000  }
0x4d: {  	[hbm4b:s16+s2] =	stream.linear.scatter [tilespmem:s8], [sflag:$0x3], $0x4000, $0x38;
	[tilespmem:$0x8200] =	vst v63  }
0x4e: {  	_ =	swait.ge [sflag:s3], $0x4000  }
0x4f: {  	[sflag:s3] =	ssyncset.done $0x0  }
.LBB2_2:
0x50: {  	[sflag:s3] =	ssyncadd.s32 $0xFFFFC000  }
0x51: {  	_ =	sfence.sel $0x180000  }
0x52: {  	[bflag:$0x0] =	sbarrier.arrive $0xFFFF  }
0x53: {  	p0 =	sne.s32 s0, $0x0;
	_ =	strace $0x9000004A  }
0x54: {  	s0 =	sadd.s32 @!p0 $0x100000, s1;
	[bflag:$0x2] =	sbarrier.arrive $0xFFFF  }
0x55: {  	[sflag:s0] =	ssyncadd.tile.s32 @!p0 $0x1;
	_ =	shalt  }
.Lfunc_end2:
_tile_overlayer_lowered:
.L_overlay_start_2:
0x56: {  	(tag) =	ssettag $0x2  }
0x57: {  	s0 =	rddreg [dreg:$0x0];
	s2 =	stileid.u32  }
0x58: {  	s1 =	rddreg [dreg:$0x1];
	p0 =	sne.s32 s2, $0x0  }
0x59: {  	s3 =	rddreg [dreg:$0x2];
	[bflag:$0x3] =	sbarrier.arrive $0xFFFF;
	s2 =	simm.s32 @!p0 $0x1C03  }
0x5a: {  	[timem:s3], [sflag:s2] =	dma.local @!p0 [hbm:s0], s1  }
0x5b: {  	s0 =	simm.s32 @!p0 $0x3  }
0x5c: {  	_ =	swait.ge @!p0 [sflag:s0], s1  }
0x5d: {  	s1 =	ssub.s32 @!p0 $0x0, s1;
	[sflag:s0] =	ssyncset.done @!p0 $0x0  }
0x5e: {  	[sflag:s0] =	ssyncadd.s32 @!p0 s1  }
0x5f: {  	[bflag:$0x3] =	sbarrier.arrive $0xFFFF  }
0x60: {  	_ =	shalt  }

// kernel: kernel.7.cloned.1.call-start
scs
__scs_entry_jumppad:
0x0: {  	(pc) =	sbr.rel $0x88, $3  }
0x1: {  	(tag) =	ssettag $0x0;
	lr =	simm.s32 $0x1  }
0x2: {  	[smem:$0x3F93] =	sst lr;
	_ =	strace $0xD0000000  }
0x3: {  	_ = 	snop  }
0x4: {  	_ = 	snop  }
0x5: {  	_ = 	snop  }
0x6: {  	_ = 	snop  }
0x7: {  	_ = 	snop  }
__scs_overlays_trampoline_lowered:
0x8: {  	[smem:$0x3FA2] =	sst s0  }
0x9: {  	[smem:$0x3FA3] =	sst s1  }
0xa: {  	[smem:$0x3FA4] =	sst s2  }
0xb: {  	[smem:$0x3FA5] =	sst s3  }
0xc: {  	[smem:$0x3FA6] =	sst s4  }
0xd: {  	[smem:$0x3FA7] =	sst s5  }
0xe: {  	[smem:$0x3FA8] =	sst s6  }
0xf: {  	[smem:$0x3FA9] =	sst s7  }
0x10: {  	[smem:$0x3FAA] =	sst s8  }
0x11: {  	[smem:$0x3FAB] =	sst s9;
	s0 =	simm.s32 @!p0 $0x0  }
0x12: {  	s1 =	sld [smem:$0x3F91];
	s0 =	simm.s32 @p0 $0x1  }
0x13: {  	[smem:$0x3FAC] =	sst s0;
	s0 =	simm.s32 @!p1 $0x0  }
0x14: {  	s2 =	sld [smem:$0x3F90];
	s0 =	simm.s32 @p1 $0x1  }
0x15: {  	[smem:$0x3FAD] =	sst s0;
	s0 =	simm.s32 @!p2 $0x0  }
0x16: {  	s3 =	sld [smem:$0x3FDB];
	s0 =	simm.s32 @p2 $0x1  }
0x17: {  	s4 =	simm.s32 $0x1BF5;
	[smem:$0x3FAF] =	sst s0  }
0x18: {  	s0 =	sld [smem:$0x3F92];
	_ =	swait.ge [sflag:s4], $0x0  }
0x19: {  	s7 =	sld [smem:$0x3F93]  }
0x1a: {  	s8 =	sadd.s32 $0xFFFFE003, lr  }
0x1b: {  	s9 =	sadd.s32 $0xFFFFFEF7, lr;
	s5 =	simm.s32 $0xFFFFFFFF;
	p2 =	slt.u32 s8, $0xFFFFF086  }
0x1c: {  	p1 =	slt.u32 s9, $0xF7A;
	s5 =	simm.s32 @!p2 $0x0  }
0x1d: {  	s5 =	simm.s32 @p1 $0x1;
	p0 =	seq.s32 s7, s2  }
0x1e: {  	s7 =	smul.u32 @!p0 $0xF7A, s2;
	p2 =	seq.s32 @!p0 s5, $0x0  }
0x1f: {  	s9 =	smul.u32 $0xF7A, s1;
	s8 =	simm.s32 @!p0 $0x1BF5;
	p2 =	por !p2, p0  }
0x20: {  	[sflag:s8] =	ssyncset.s32 @!p0 $0xFFFFF086;
	s6 =	sadd.s32 @!p0 s3, s7;
	s7 =	simm.s32 @!p0 $0x108  }
0x21: {  	s3 =	sadd.s32 s3, s9;
	s6 =	sadd.s32 @!p0 $0x88, s6;
	s7 =	simm.s32 @p2 $0x1082  }
0x22: {  	[simem:s7], [sflag:s8] =	dma.local @!p0 [hbm:s6], $0xF7A  }
0x23: {  	s9 =	sor.u32 $0xD0000000, s2;
	s6 =	simm.s32 $0x108;
	_ =	swait.ge @!p0 [sflag:s8], $0x0  }
0x24: {  	s3 =	sadd.s32 $0x88, s3;
	s6 =	simm.s32 @!p1 $0x1082;
	[sflag:s4] =	ssyncset.s32 $0xFFFFF086  }
0x25: {  	[simem:s6], [sflag:s4] =	dma.local [hbm:s3], $0xF7A  }
0x26: {  	[smem:$0x3F93] =	sst s1;
	(tag) =	ssettag s2;
	_ =	strace s9  }
0x27: {  	s1 =	sld [smem:$0x3FA3]  }
0x28: {  	s2 =	sld [smem:$0x3FA4]  }
0x29: {  	s4 =	sld [smem:$0x3FA6]  }
0x2a: {  	p0 =	seq.s32 s5, $0x0;
	s5 =	sld [smem:$0x3FA7]  }
0x2b: {  	s6 =	sld [smem:$0x3FA8]  }
0x2c: {  	s7 =	sld [smem:$0x3FA9]  }
0x2d: {  	s3 =	simm.s32 $0x108;
	s8 =	sld [smem:$0x3FAA]  }
0x2e: {  	s3 =	simm.s32 @!p0 $0x1082;
	s9 =	sld [smem:$0x3FAB]  }
0x2f: {  	lr =	sadd.s32 s0, s3;
	s0 =	sld [smem:$0x3FA2]  }
0x30: {  	s3 =	sld [smem:$0x3FA5]  }
0x31: {  	[smem:$0x3FAE] =	sst s10  }
0x32: {  	s10 =	sld [smem:$0x3FAC];
	_ =	sdelay $0x3  }
0x33: {  	p0 =	seq.s32 s10, $0x1;
	s10 =	sld [smem:$0x3FAE];
	_ =	sdelay $0x3  }
0x34: {  	[smem:$0x3FAE] =	sst s10  }
0x35: {  	s10 =	sld [smem:$0x3FAD];
	_ =	sdelay $0x3  }
0x36: {  	p1 =	seq.s32 s10, $0x1;
	s10 =	sld [smem:$0x3FAE];
	_ =	sdelay $0x3  }
0x37: {  	[smem:$0x3FAE] =	sst s10  }
0x38: {  	s10 =	sld [smem:$0x3FAF]  }
0x39: {  	_ = 	snop;
	(pc) =	sbr.ind lr, $3  }
0x3a: {  	_ = 	snop  }
0x3b: {  	_ = 	snop  }
0x3c: {  	p2 =	seq.s32 s10, $0x1;
	s10 =	sld [smem:$0x3FAE]  }
0x3d: {  	_ =	shalt  }
0x3e: {  	_ =	shalt  }
0x3f: {  	_ =	shalt  }
0x40: {  	_ =	shalt  }
0x41: {  	_ =	shalt  }
0x42: {  	_ =	shalt  }
0x43: {  	_ =	shalt  }
0x44: {  	_ =	shalt  }
0x45: {  	_ =	shalt  }
0x46: {  	_ =	shalt  }
0x47: {  	_ =	shalt  }
0x48: {  	_ =	shalt  }
0x49: {  	_ =	shalt  }
0x4a: {  	_ =	shalt  }
0x4b: {  	_ =	shalt  }
0x4c: {  	_ =	shalt  }
0x4d: {  	_ =	shalt  }
0x4e: {  	_ =	shalt  }
0x4f: {  	_ =	shalt  }
0x50: {  	_ =	shalt  }
0x51: {  	_ =	shalt  }
0x52: {  	_ =	shalt  }
0x53: {  	_ =	shalt  }
0x54: {  	_ =	shalt  }
0x55: {  	_ =	shalt  }
0x56: {  	_ =	shalt  }
0x57: {  	_ =	shalt  }
0x58: {  	_ =	shalt  }
0x59: {  	_ =	shalt  }
0x5a: {  	_ =	shalt  }
0x5b: {  	_ =	shalt  }
0x5c: {  	_ =	shalt  }
0x5d: {  	_ =	shalt  }
0x5e: {  	_ =	shalt  }
0x5f: {  	_ =	shalt  }
0x60: {  	_ =	shalt  }
0x61: {  	_ =	shalt  }
0x62: {  	_ =	shalt  }
0x63: {  	_ =	shalt  }
0x64: {  	_ =	shalt  }
0x65: {  	_ =	shalt  }
0x66: {  	_ =	shalt  }
0x67: {  	_ =	shalt  }
0x68: {  	_ =	shalt  }
0x69: {  	_ =	shalt  }
0x6a: {  	_ =	shalt  }
0x6b: {  	_ =	shalt  }
0x6c: {  	_ =	shalt  }
0x6d: {  	_ =	shalt  }
0x6e: {  	_ =	shalt  }
0x6f: {  	_ =	shalt  }
0x70: {  	_ =	shalt  }
0x71: {  	_ =	shalt  }
0x72: {  	_ =	shalt  }
0x73: {  	_ =	shalt  }
0x74: {  	_ =	shalt  }
0x75: {  	_ =	shalt  }
0x76: {  	_ =	shalt  }
0x77: {  	_ =	shalt  }
0x78: {  	_ =	shalt  }
0x79: {  	_ =	shalt  }
0x7a: {  	_ =	shalt  }
0x7b: {  	_ =	shalt  }
0x7c: {  	_ =	shalt  }
0x7d: {  	_ =	shalt  }
0x7e: {  	_ =	shalt  }
0x7f: {  	_ =	shalt  }
0x80: {  	_ =	shalt  }
0x81: {  	_ =	shalt  }
0x82: {  	_ =	shalt  }
0x83: {  	_ =	shalt  }
0x84: {  	_ =	shalt  }
0x85: {  	_ =	shalt  }
0x86: {  	_ =	shalt  }
0x87: {  	_ =	shalt  }
.Lfunc_end0:
.L_simem_size_0:
called_computation_lowered:
.L_overlay_start_0:
0x88: {  	s2 =	sld [smem:$0x3FD9]  }
0x89: {  	s3 =	sld [smem:$0x3FFE];
	_ =	sdelay $0x1  }
0x8a: {  	s1 =	srdreg.scid  }
0x8b: {  	s0 =	sand.u32 $0x1, s1  }
0x8c: {  	s17 =	sshll.u32 s0, $0xA;
	s2 =	sadd.s32 s3, s2  }
0x8d: {  	s2 =	sadd.s32 s2, s17  }
0x8e: {  	[smem:$0x3FBA] =	sst s2  }
0x8f: {  	_ = 	snop  }
0x90: {  	s2 =	sld [smem:$0x3FC9];
	(tm) =	ssettm $0x1  }
0x91: {  	s18 =	sld [smem:$0x3FFB];
	_ =	sdelay $0x3  }
0x92: {  	_ =	strace s18  }
0x93: {  	s3 =	sld [smem:$0x3FFC];
	_ =	sdelay $0x3  }
0x94: {  	_ =	strace s3  }
0x95: {  	s3 =	sld [smem:$0x3FFD];
	_ =	sdelay $0x3  }
0x96: {  	_ =	strace s3  }
0x97: {  	_ =	strace $0x8FFFFFFF  }
0x98: {  	s19 =	sld [smem:$0x3FDB];
	_ =	sdelay $0x1  }
0x99: {  	s4 =	simm.s32 $_scs_section_size  }
0x9a: {  	s5 =	simm.s32 $_size__tile_overlayer_lowered;
	s6 =	simm.s32 $_tile_overlayer_lowered  }
0x9b: {  	s22 =	simm.s32 $0x1BFF;
	s21 =	sshll.u32 s6, $0x1;
	s3 =	sadd.s32 s4, s19  }
0x9c: {  	s7 =	simm.s32 $0x0;
	s20 =	sshll.u32 s5, $0x1;
	s5 =	sadd.s32 s21, s3  }
0x9d: {  	[timem:s7], [sflag:s22] =	dma.local [hbm:s5], s20  }
0x9e: {  	_ =	swait.ge [sflag:s22], s20  }
0x9f: {  	s4 =	ssub.s32 $0x0, s20;
	[sflag:s22] =	ssyncset.done $0x0  }
0xa0: {  	[sflag:s22] =	ssyncadd.s32 s4;
	_ =	sdelay $0x1  }
0xa1: {  	s23 =	simm.s32 $0x1B8B  }
0xa2: {  	_ =	swait.ge [sflag:s23], $0x1  }
0xa3: {  	[sflag:s23] =	ssyncset.done $0x0  }
0xa4: {  	s25 =	simm.s32 $0x1B8E;
	s24 =	sld [smem:$0x3FFE];
	[sflag:s23] =	ssyncadd.s32 $0xFFFFFFFF  }
0xa5: {  	s26 =	simm.s32 $execute0_lowered;
	[smem:$0x3FD2] =	sst s25  }
0xa6: {  	s5 =	sshll.u32 s26, $0x1;
	_ =	strace $0x80000046;
	[dreg:$0x1] =	wrdreg $0xFFFFFFFF  }
0xa7: {  	s28 =	simm.s32 $_size_execute0_lowered;
	s3 =	sadd.s32 s3, s5;
	[dreg:$0x0] =	wrdreg $0x0  }
0xa8: {  	s5 =	sshll.u32 s28, $0x1;
	[dreg:$0x2] =	wrdreg s3  }
0xa9: {  	[dreg:$0x3] =	wrdreg s5  }
0xaa: {  	[dreg:$0x4] =	wrdreg $0xC0  }
0xab: {  	_ =	task [dreg:s7], $0x5FFFF  }
0xac: {  	[dreg:$0x1] =	wrdreg $0xFFFFFFFF  }
0xad: {  	[dreg:$0x0] =	wrdreg $0x60  }
0xae: {  	[dreg:$0x2] =	wrdreg s2  }
0xaf: {  	[dreg:$0x3] =	wrdreg s24  }
0xb0: {  	[dreg:$0x4] =	wrdreg $0x9  }
0xb1: {  	_ =	task.clear_ibuf [dreg:s7], $0x5FFFF;
	_ =	strace $0x90000046  }
0xb2: {  	s29 =	simm.s32 $0x9;
	_ =	strace $0x80000048  }
0xb3: {  	_ =	swait.ge [sflag:s29], $0x1  }
0xb4: {  	[sflag:s29] =	ssyncadd.s32 $0xFFFFFFFF  }
0xb5: {  	_ =	strace $0x90000048  }
0xb6: {  	_ =	sfence  }
0xb7: {  	s30 =	sld [smem:$0x0];
	_ =	sdelay $0x2  }
0xb8: {  	s31 =	sshll.u32 s1, $0xD;
	s1 =	sshrl.u32 s1, $0x2  }
0xb9: {  	s3 =	sand.u32 $0x4000, s31;
	s1 =	sadd.s32 s1, s30  }
0xba: {  	s0 =	sor.u32 s3, s0;
	s1 =	sshll.u32 s1, $0x11  }
0xbb: {  	s0 =	sor.u32 s1, s0  }
0xbc: {  	s0 =	sadd.s32 $0x8F2B, s0  }
0xbd: {  	[sflag:s0] =	ssyncadd.remote.s32 $0x1  }
0xbe: {  	_ =	sfence.sel $0xFFFF  }
0xbf: {  	[dreg:$0x0] =	wrdreg $0xFFFFFFFF;
	(pc) =	sbr.abs _section_cstart, $3  }
0xc0: {  	[dreg:$0x1] =	wrdreg $0xFFFFFFFF  }
0xc1: {  	_ =	task.clear_ibuf [dreg:s7], $0x2FFFF;
	_ =	strace $0x9FFFFFFF  }
0xc2: {  	(tm) =	ssettm $0x7FFFFFFF  }
0xc3: {  	_ =	shalt  }
tec
execute0_lowered:
.L_overlay_start_1:
0x0: {  	(tag) =	ssettag $0x1  }
0x1: {  	s1 =	srdreg.scid  }
0x2: {  	s3 =	rddreg [dreg:$0x0];
	s0 =	stileid.u32;
	s16 =	sand.u32 $0x1, s1  }
0x3: {  	s10 =	rddreg [dreg:$0x1];
	s4 =	sshll.u32 s0, $0xA;
	s5 =	sshll.u32 s16, $0x9  }
0x4: {  	s2 =	simm.s32 $0x0;
	s1 =	rddreg [dreg:$0x2];
	s11 =	sor.u32 s5, s4  }
0x5: {  	[smem:$0x7FF] =	sst s2;
	s4 =	sshrl.u32 s11, $0x3  }
0x6: {  	_ =	strace $0x80000047;
	s4 =	sadd.s32 s3, s4;
	s3 =	simm.s32 $0x3  }
0x7: {  	[tilespmem:s2], [sflag:$0x3] =	stream.linear.gather [hbm4b:s4+s2], $0x200, $0x38;
	[tilespmem:$0x8200] =	vst v63  }
0x8: {  	_ =	swait.ge [sflag:s3], $0x200  }
0x9: {  	s6 =	simm.s32 $0x80;
	[sflag:s3] =	ssyncset.done $0x0  }
0xa: {  	s7 =	simm.s32 $0x200;
	s5 =	sadd.s32 $0x1A00, s10;
	[sflag:s3] =	ssyncadd.s32 $0xFFFFFE00  }
0xb: {  	[tilespmem:s7], [sflag:$0x1] =	stream.indirect.gather [hbm4b:s5+s6], $0x80, s2, s6, $0xb8;
	[tilespmem:$0x8200] =	vst v63  }
0xc: {  	s8 =	simm.s32 $0x4200;
	s9 =	simm.s32 $0x1  }
0xd: {  	[tilespmem:s8], [sflag:$0x2] =	stream.indirect.gather [hbm4b:s5+s6], $0x80, s6, s6, $0xb8;
	[tilespmem:$0x8200] =	vst v63  }
0xe: {  	s11 =	sshll.u32 s11, $0x4;
	_ =	swait.ge [sflag:s9], $0x4000  }
0xf: {  	s17 =	sadd.s32 s11, s10;
	[sflag:s9] =	ssyncset.done $0x0  }
0x10: {  	s10 =	sadd.s32 $0x188400, s17;
	[sflag:s9] =	ssyncadd.s32 $0xFFFFC000  }
0x11: {  	[hbm4b:s10+s2] =	stream.linear.scatter [tilespmem:s7], [sflag:$0x3], $0x4000, $0x38;
	[tilespmem:$0x8200] =	vst v63  }
0x12: {  	_ =	swait.ge [sflag:s3], $0x4000  }
0x13: {  	[sflag:s3] =	ssyncset.done $0x0  }
0x14: {  	s12 =	simm.s32 $0x2;
	s11 =	simm.s32 $0x100;
	[sflag:s3] =	ssyncadd.s32 $0xFFFFC000  }
0x15: {  	[tilespmem:s7], [sflag:$0x1] =	stream.indirect.gather [hbm4b:s5+s6], $0x80, s11, s6, $0xb8;
	[tilespmem:$0x8200] =	vst v63  }
0x16: {  	_ =	swait.ge [sflag:s12], $0x4000  }
0x17: {  	[sflag:s12] =	ssyncset.done $0x0  }
0x18: {  	s13 =	sadd.s32 $0x188C00, s17;
	[sflag:s12] =	ssyncadd.s32 $0xFFFFC000  }
0x19: {  	[hbm4b:s13+s2] =	stream.linear.scatter [tilespmem:s8], [sflag:$0x3], $0x4000, $0x38;
	[tilespmem:$0x8200] =	vst v63  }
0x1a: {  	_ =	swait.ge [sflag:s3], $0x4000  }
0x1b: {  	[sflag:s3] =	ssyncset.done $0x0  }
0x1c: {  	s14 =	simm.s32 $0x180;
	[sflag:s3] =	ssyncadd.s32 $0xFFFFC000  }
0x1d: {  	[tilespmem:s8], [sflag:$0x2] =	stream.indirect.gather [hbm4b:s5+s6], $0x80, s14, s6, $0xb8;
	[tilespmem:$0x8200] =	vst v63  }
0x1e: {  	_ =	swait.ge [sflag:s9], $0x4000  }
0x1f: {  	[sflag:s9] =	ssyncset.done $0x0  }
0x20: {  	s16 =	ssub.s32 $0x2, s16;
	s15 =	sadd.s32 $0x189400, s17;
	[sflag:s9] =	ssyncadd.s32 $0xFFFFC000  }
0x21: {  	[hbm4b:s15+s2] =	stream.linear.scatter [tilespmem:s7], [sflag:$0x3], $0x4000, $0x38;
	[tilespmem:$0x8200] =	vst v63  }
0x22: {  	s18 =	sshrl.u32 s16, $0x1;
	_ =	swait.ge [sflag:s3], $0x4000  }
0x23: {  	s18 =	ssub.s32 s16, s18;
	[sflag:s3] =	ssyncset.done $0x0  }
0x24: {  	s31 =	smax.u32 s18, $0x1;
	[sflag:s3] =	ssyncadd.s32 $0xFFFFC000  }
0x25: {  	p0 =	sne.s32 s31, $0x1;
	_ =	swait.ge [sflag:s12], $0x4000  }
.Ltmp0:
0x26: {  	[sflag:s12] =	ssyncset.done $0x0;
	(pc) =	sbr.rel @!p0 .LBB2_2-.Ltmp0, $4  }
0x27: {  	s16 =	sadd.s32 $0x189C00, s17;
	[sflag:s12] =	ssyncadd.s32 $0xFFFFC000  }
0x28: {  	[hbm4b:s16+s2] =	stream.linear.scatter [tilespmem:s8], [sflag:$0x3], $0x4000, $0x38;
	[tilespmem:$0x8200] =	vst v63  }
0x29: {  	_ =	swait.ge [sflag:s3], $0x4000  }
0x2a: {  	s17 =	sadd.s32 $0xFFFFFFFF, s31;
	[sflag:s3] =	ssyncset.done $0x0  }
.LBB2_1:
0x2b: {  	p0 =	sne.s32 s17, $0x1;
	s17 =	sadd.s32 $0xFFFFFFFF, s17;
	[sflag:s3] =	ssyncadd.s32 $0xFFFFC000  }
0x2c: {  	[tilespmem:s2], [sflag:$0x3] =	stream.linear.gather [hbm4b:s4+s2], $0x200, $0x38;
	[tilespmem:$0x8200] =	vst v63  }
0x2d: {  	_ =	swait.ge [sflag:s3], $0x200  }
0x2e: {  	[sflag:s3] =	ssyncset.done $0x0  }
0x2f: {  	[sflag:s3] =	ssyncadd.s32 $0xFFFFFE00  }
0x30: {  	[tilespmem:s7], [sflag:$0x1] =	stream.indirect.gather [hbm4b:s5+s6], $0x80, s2, s6, $0xb8;
	[tilespmem:$0x8200] =	vst v63  }
0x31: {  	_ = 	snop  }
0x32: {  	[tilespmem:s8], [sflag:$0x2] =	stream.indirect.gather [hbm4b:s5+s6], $0x80, s6, s6, $0xb8;
	[tilespmem:$0x8200] =	vst v63  }
0x33: {  	_ =	swait.ge [sflag:s9], $0x4000  }
0x34: {  	[sflag:s9] =	ssyncset.done $0x0  }
0x35: {  	[sflag:s9] =	ssyncadd.s32 $0xFFFFC000  }
0x36: {  	[hbm4b:s10+s2] =	stream.linear.scatter [tilespmem:s7], [sflag:$0x3], $0x4000, $0x38;
	[tilespmem:$0x8200] =	vst v63  }
0x37: {  	_ =	swait.ge [sflag:s3], $0x4000  }
0x38: {  	[sflag:s3] =	ssyncset.done $0x0  }
0x39: {  	[sflag:s3] =	ssyncadd.s32 $0xFFFFC000  }
0x3a: {  	[tilespmem:s7], [sflag:$0x1] =	stream.indirect.gather [hbm4b:s5+s6], $0x80, s11, s6, $0xb8;
	[tilespmem:$0x8200] =	vst v63  }
0x3b: {  	_ =	swait.ge [sflag:s12], $0x4000  }
0x3c: {  	[sflag:s12] =	ssyncset.done $0x0  }
0x3d: {  	[sflag:s12] =	ssyncadd.s32 $0xFFFFC000  }
0x3e: {  	[hbm4b:s13+s2] =	stream.linear.scatter [tilespmem:s8], [sflag:$0x3], $0x4000, $0x38;
	[tilespmem:$0x8200] =	vst v63  }
0x3f: {  	_ =	swait.ge [sflag:s3], $0x4000  }
0x40: {  	[sflag:s3] =	ssyncset.done $0x0  }
0x41: {  	[sflag:s3] =	ssyncadd.s32 $0xFFFFC000  }
0x42: {  	[tilespmem:s8], [sflag:$0x2] =	stream.indirect.gather [hbm4b:s5+s6], $0x80, s14, s6, $0xb8;
	[tilespmem:$0x8200] =	vst v63  }
0x43: {  	_ =	swait.ge [sflag:s9], $0x4000  }
0x44: {  	[sflag:s9] =	ssyncset.done $0x0  }
0x45: {  	[sflag:s9] =	ssyncadd.s32 $0xFFFFC000  }
0x46: {  	[hbm4b:s15+s2] =	stream.linear.scatter [tilespmem:s7], [sflag:$0x3], $0x4000, $0x38;
	[tilespmem:$0x8200] =	vst v63  }
0x47: {  	_ =	swait.ge [sflag:s3], $0x4000  }
0x48: {  	[sflag:s3] =	ssyncset.done $0x0  }
0x49: {  	[sflag:s3] =	ssyncadd.s32 $0xFFFFC000  }
0x4a: {  	_ =	swait.ge [sflag:s12], $0x4000  }
.Ltmp1:
0x4b: {  	[sflag:s12] =	ssyncset.done $0x0;
	(pc) =	sbr.rel @p0 .LBB2_1-.Ltmp1, $4  }
0x4c: {  	[sflag:s12] =	ssyncadd.s32 $0xFFFFC000  }
0x4d: {  	[hbm4b:s16+s2] =	stream.linear.scatter [tilespmem:s8], [sflag:$0x3], $0x4000, $0x38;
	[tilespmem:$0x8200] =	vst v63  }
0x4e: {  	_ =	swait.ge [sflag:s3], $0x4000  }
0x4f: {  	[sflag:s3] =	ssyncset.done $0x0  }
.LBB2_2:
0x50: {  	[sflag:s3] =	ssyncadd.s32 $0xFFFFC000  }
0x51: {  	_ =	sfence.sel $0x180000  }
0x52: {  	[bflag:$0x0] =	sbarrier.arrive $0xFFFF  }
0x53: {  	p0 =	sne.s32 s0, $0x0;
	_ =	strace $0x90000047  }
0x54: {  	s0 =	sadd.s32 @!p0 $0x100000, s1;
	[bflag:$0x2] =	sbarrier.arrive $0xFFFF  }
0x55: {  	[sflag:s0] =	ssyncadd.tile.s32 @!p0 $0x1;
	_ =	shalt  }
.Lfunc_end2:
_tile_overlayer_lowered:
.L_overlay_start_2:
0x56: {  	(tag) =	ssettag $0x2  }
0x57: {  	s0 =	rddreg [dreg:$0x0];
	s2 =	stileid.u32  }
0x58: {  	s1 =	rddreg [dreg:$0x1];
	p0 =	sne.s32 s2, $0x0  }
0x59: {  	s3 =	rddreg [dreg:$0x2];
	[bflag:$0x3] =	sbarrier.arrive $0xFFFF;
	s2 =	simm.s32 @!p0 $0x1C03  }
0x5a: {  	[timem:s3], [sflag:s2] =	dma.local @!p0 [hbm:s0], s1  }
0x5b: {  	s0 =	simm.s32 @!p0 $0x3  }
0x5c: {  	_ =	swait.ge @!p0 [sflag:s0], s1  }
0x5d: {  	s1 =	ssub.s32 @!p0 $0x0, s1;
	[sflag:s0] =	ssyncset.done @!p0 $0x0  }
0x5e: {  	[sflag:s0] =	ssyncadd.s32 @!p0 s1  }
0x5f: {  	[bflag:$0x3] =	sbarrier.arrive $0xFFFF  }
0x60: {  	_ =	shalt  }

</sc_bundles>
